<compile_context>
chip_gen: v7x
topology: tpu7x:2x2x1
jax: 0.10.2.dev20260603
libtpu: 0.0.44.dev20260713+nightly
codegen_flags: <defaults>
</compile_context>

<pallas_src>
import functools

import jax
import jax.numpy as jnp
from jax import lax
from jax.experimental import pallas as pl
from jax.experimental.pallas import tpu as pltpu
from jax.experimental.pallas import tpu_sc as plsc

B = 1024
S = 64
D = 6
DM = 64
PL = 24
TOPK = 5
NL = 3
NH = 4
HD = DM // NH
M = 100000

_TILE = 2048
_NM = (M + _TILE - 1) // _TILE
_BBLK = 256
_NB = B // _BBLK
_NEG = -1e30


def _enc_ln(x, g, b, eps=1e-5):
    mu = x.mean(axis=-1, keepdims=True)
    var = ((x - mu) ** 2).mean(axis=-1, keepdims=True)
    return (x - mu) / jnp.sqrt(var + eps) * g + b


def _enc_gpt2(h, p):
    Bq, T, _ = h.shape
    mask = jnp.tril(jnp.ones((T, T), dtype=bool))
    for l in range(NL):
        hn = _enc_ln(h, p["ln1_g"][l], p["ln1_b"][l])
        qkv = hn @ p["attn_w"][l] + p["attn_b"][l]
        q, k, v = jnp.split(qkv, 3, axis=-1)
        q = q.reshape(Bq, T, NH, HD).transpose(0, 2, 1, 3)
        k = k.reshape(Bq, T, NH, HD).transpose(0, 2, 1, 3)
        v = v.reshape(Bq, T, NH, HD).transpose(0, 2, 1, 3)
        att = (q @ k.transpose(0, 1, 3, 2)) / jnp.sqrt(jnp.float32(HD))
        att = jnp.where(mask[None, None], att, jnp.finfo(jnp.float32).min)
        att = jax.nn.softmax(att, axis=-1)
        o = (att @ v).transpose(0, 2, 1, 3).reshape(Bq, T, DM)
        h = h + o @ p["aproj_w"][l] + p["aproj_b"][l]
        hn = _enc_ln(h, p["ln2_g"][l], p["ln2_b"][l])
        ff = jax.nn.gelu(hn @ p["fc_w"][l] + p["fc_b"][l], approximate=True)
        h = h + ff @ p["mproj_w"][l] + p["mproj_b"][l]
    return _enc_ln(h, p["lnf_g"], p["lnf_b"])


def _topk_body(q_ref, keys_ref, w_ref, idx_ref, rv_ref, ri_ref):
    j = pl.program_id(1)

    @pl.when(j == 0)
    def _init():
        rv_ref[...] = jnp.full((_BBLK, 8), _NEG, jnp.float32)
        ri_ref[...] = jnp.zeros((_BBLK, 8), jnp.int32)

    keys = keys_ref[...]
    rn = lax.rsqrt(jnp.maximum(jnp.sum(keys * keys, axis=1, keepdims=True),
                               1e-24))
    keysn = keys * rn
    qb = q_ref[...]
    sim = lax.dot_general(qb, keysn, (((1,), (1,)), ((), ())),
                          preferred_element_type=jnp.float32)
    lane = lax.broadcasted_iota(jnp.int32, (_BBLK, _TILE), 1)
    sim = jnp.where(j * _TILE + lane < M, sim, _NEG)

    rv = rv_ref[...]
    ri = ri_ref[...]
    vals = sim
    for _ in range(TOPK):
        m = jnp.max(vals, axis=1, keepdims=True)
        pos = jnp.min(jnp.where(vals == m, lane, jnp.int32(2 ** 30)),
                      axis=1, keepdims=True)
        vals = jnp.where(lane == pos, _NEG, vals)
        pv = m
        pi = j * _TILE + pos
        rshift = jnp.concatenate([pv, rv[:, :TOPK - 1]], axis=1)
        ishift = jnp.concatenate([pi, ri[:, :TOPK - 1]], axis=1)
        a = jnp.minimum(rshift, pv)
        a_idx = jnp.where(pv <= rshift, pi, ishift)
        up = a > rv[:, :TOPK]
        rv5 = jnp.where(up, a, rv[:, :TOPK])
        ri5 = jnp.where(up, a_idx, ri[:, :TOPK])
        rv = jnp.concatenate([rv5, rv[:, TOPK:]], axis=1)
        ri = jnp.concatenate([ri5, ri[:, TOPK:]], axis=1)
    rv_ref[...] = rv
    ri_ref[...] = ri

    @pl.when(j == _NM - 1)
    def _fin():
        v = rv[:, :TOPK]
        e = jnp.exp(v - rv[:, 0:1])
        w5 = e / jnp.sum(e, axis=1, keepdims=True)
        w_ref[...] = jnp.concatenate([w5, jnp.zeros((_BBLK, 3), jnp.float32)],
                                     axis=1)
        idx_ref[...] = ri


def _run_topk(qn, keys):
    return pl.pallas_call(
        _topk_body,
        grid=(_NB, _NM),
        in_specs=[
            pl.BlockSpec((_BBLK, DM), lambda i, j: (i, 0)),
            pl.BlockSpec((_TILE, DM), lambda i, j: (j, 0)),
        ],
        out_specs=[
            pl.BlockSpec((_BBLK, 8), lambda i, j: (i, 0)),
            pl.BlockSpec((_BBLK, 8), lambda i, j: (i, 0)),
        ],
        out_shape=[
            jax.ShapeDtypeStruct((B, 8), jnp.float32),
            jax.ShapeDtypeStruct((B, 8), jnp.int32),
        ],
        scratch_shapes=[
            pltpu.VMEM((_BBLK, 8), jnp.float32),
            pltpu.VMEM((_BBLK, 8), jnp.int32),
        ],
    )(qn, keys)


_NROWS = B * TOPK
_RW = PL * D
_RPW = _NROWS // 32
_CH = _RPW // 2


def _sc_gather(mv2d, idx2d):
    mesh = plsc.VectorSubcoreMesh(core_axis_name="c", subcore_axis_name="s")

    @functools.partial(
        pl.kernel, mesh=mesh,
        out_type=jax.ShapeDtypeStruct((_NROWS, _RW), jnp.float32),
        compiler_params=pltpu.CompilerParams(use_tc_tiling_on_sc=False),
        scratch_types=[
            pltpu.VMEM((_CH,), jnp.int32),
            pltpu.VMEM((_CH,), jnp.int32),
            pltpu.VMEM((_RPW, _RW), jnp.float32),
            pltpu.SemaphoreType.DMA,
        ],
    )
    def k(mv_hbm, idx_hbm, out_hbm, idx_a, idx_b, rows, sem):
        wid = lax.axis_index("s") * 2 + lax.axis_index("c")
        pltpu.sync_copy(idx_hbm.at[2 * wid], idx_a)
        pltpu.sync_copy(idx_hbm.at[2 * wid + 1], idx_b)
        pltpu.async_copy(mv_hbm.at[idx_a], rows.at[pl.ds(0, _CH)], sem).wait()
        pltpu.async_copy(mv_hbm.at[idx_b], rows.at[pl.ds(_CH, _CH)], sem).wait()
        pltpu.sync_copy(rows, out_hbm.at[pl.ds(wid * _RPW, _RPW)])

    return k(mv2d, idx2d)


def _fuse_body(vals_ref, w_ref, basea_ref, out_ref):
    acc = w_ref[:, 0:1] * vals_ref[:, 0, :]
    for k in range(1, TOPK):
        acc = acc + w_ref[:, k:k + 1] * vals_ref[:, k, :]
    out_ref[...] = basea_ref[...] + acc


def _run_fuse(vals, w, base_a):
    return pl.pallas_call(
        _fuse_body,
        grid=(_NB,),
        in_specs=[
            pl.BlockSpec((_BBLK, TOPK, _RW), lambda i: (i, 0, 0)),
            pl.BlockSpec((_BBLK, 8), lambda i: (i, 0)),
            pl.BlockSpec((_BBLK, _RW), lambda i: (i, 0)),
        ],
        out_specs=pl.BlockSpec((_BBLK, _RW), lambda i: (i, 0)),
        out_shape=jax.ShapeDtypeStruct((B, _RW), jnp.float32),
    )(vals, w, base_a)


def kernel(x, memory_keys, memory_values, params):
    p = params
    qe = (x @ p["re1_w"] + p["re1_b"]).reshape(B, S * DM) @ p["re2_w"] + p["re2_b"]
    qn = qe * lax.rsqrt(jnp.maximum(jnp.sum(qe * qe, axis=1, keepdims=True),
                                    jnp.float32(1e-24)))

    w8, idx8 = _run_topk(qn, memory_keys)

    idx2d = idx8[:, :TOPK].reshape(64, _CH)
    vals = _sc_gather(memory_values.reshape(M, _RW), idx2d)

    x_emb = x @ p["in_w"] + p["in_b"]
    h = _enc_gpt2(x_emb + p["wpe"][:S][None], p)
    base = h.reshape(B, S * DM) @ p["out_w"] + p["out_b"]

    alpha = jax.nn.sigmoid(p["fusion_w"])
    base_a = alpha * base
    w_scaled = (1.0 - alpha) * w8
    out = _run_fuse(vals.reshape(B, TOPK, _RW), w_scaled, base_a)
    return out.reshape(B, PL, D)

# --- scband reference (transcript-rebuilt; emitter-appended) ---
"""Pipeline reference for scband-rovtime-raf-35321811042727 (READ-ONLY COPY).

The authoritative reference and input builder live on the scoring server;
editing this copy changes nothing except your own understanding.
"""

import jax, jax.numpy as jnp
import numpy as np

B = 1024; S = 64; D = 6; DM = 64; PL = 24; TOPK = 5; NL = 3; NH = 4; HD = DM // NH; M = 100000


def _ln(x, g, b, eps=1e-5):
    mu = x.mean(axis=-1, keepdims=True)
    var = ((x - mu) ** 2).mean(axis=-1, keepdims=True)
    return (x - mu) / jnp.sqrt(var + eps) * g + b


def _l2norm(x, eps=1e-12):
    n = jnp.sqrt((x ** 2).sum(axis=1, keepdims=True))
    return x / jnp.maximum(n, eps)


def _gpt2(h, p):
    Bq, T, _ = h.shape
    mask = jnp.tril(jnp.ones((T, T), dtype=bool))
    for l in range(NL):
        hn = _ln(h, p["ln1_g"][l], p["ln1_b"][l])
        qkv = hn @ p["attn_w"][l] + p["attn_b"][l]
        q, k, v = jnp.split(qkv, 3, axis=-1)
        q = q.reshape(Bq, T, NH, HD).transpose(0, 2, 1, 3)
        k = k.reshape(Bq, T, NH, HD).transpose(0, 2, 1, 3)
        v = v.reshape(Bq, T, NH, HD).transpose(0, 2, 1, 3)
        att = (q @ k.transpose(0, 1, 3, 2)) / jnp.sqrt(jnp.float32(HD))
        att = jnp.where(mask[None, None], att, jnp.finfo(jnp.float32).min)
        att = jax.nn.softmax(att, axis=-1)
        o = (att @ v).transpose(0, 2, 1, 3).reshape(Bq, T, DM)
        h = h + o @ p["aproj_w"][l] + p["aproj_b"][l]
        hn = _ln(h, p["ln2_g"][l], p["ln2_b"][l])
        ff = jax.nn.gelu(hn @ p["fc_w"][l] + p["fc_b"][l], approximate=True)
        h = h + ff @ p["mproj_w"][l] + p["mproj_b"][l]
    return _ln(h, p["lnf_g"], p["lnf_b"])


def _forward(x, memory_keys, memory_values, p):
    x_emb = x @ p["in_w"] + p["in_b"]
    h = _gpt2(x_emb + p["wpe"][:S][None], p)
    base = (h.reshape(B, S * DM) @ p["out_w"] + p["out_b"]).reshape(B, PL, D)
    qe = (x @ p["re1_w"] + p["re1_b"]).reshape(B, S * DM) @ p["re2_w"] + p["re2_b"]
    q = _l2norm(qe)
    keys = _l2norm(memory_keys)
    sim = q @ keys.T
    topk_sim, topk_idx = jax.lax.top_k(sim, TOPK)
    w = jax.nn.softmax(topk_sim, axis=1)
    vals = memory_values[topk_idx]
    retrieved = (vals * w[:, :, None, None]).sum(axis=1)
    alpha = jax.nn.sigmoid(p["fusion_w"])
    return alpha * base + (1.0 - alpha) * retrieved


def setup_inputs(seed: int = 0):
    key = jax.random.key(seed)
    ks = jax.random.split(key, 24)

    def rn(k, shape):
        return jax.random.normal(k, shape, dtype=jnp.float32) * 0.02

    params = {
        "in_w": rn(ks[3], (D, DM)), "in_b": jnp.zeros((DM,), jnp.float32),
        "wpe": rn(ks[4], (S + 10, DM)),
        "ln1_g": jnp.ones((NL, DM), jnp.float32), "ln1_b": jnp.zeros((NL, DM), jnp.float32),
        "attn_w": rn(ks[5], (NL, DM, 3 * DM)), "attn_b": jnp.zeros((NL, 3 * DM), jnp.float32),
        "aproj_w": rn(ks[6], (NL, DM, DM)), "aproj_b": jnp.zeros((NL, DM), jnp.float32),
        "ln2_g": jnp.ones((NL, DM), jnp.float32), "ln2_b": jnp.zeros((NL, DM), jnp.float32),
        "fc_w": rn(ks[7], (NL, DM, 4 * DM)), "fc_b": jnp.zeros((NL, 4 * DM), jnp.float32),
        "mproj_w": rn(ks[8], (NL, 4 * DM, DM)), "mproj_b": jnp.zeros((NL, DM), jnp.float32),
        "lnf_g": jnp.ones((DM,), jnp.float32), "lnf_b": jnp.zeros((DM,), jnp.float32),
        "out_w": rn(ks[9], (S * DM, PL * D)), "out_b": jnp.zeros((PL * D,), jnp.float32),
        "re1_w": rn(ks[10], (D, DM)), "re1_b": jnp.zeros((DM,), jnp.float32),
        "re2_w": rn(ks[11], (S * DM, DM)), "re2_b": jnp.zeros((DM,), jnp.float32),
        "fusion_w": jnp.asarray(0.5, jnp.float32),
    }
    return {
        "x": jax.random.normal(ks[0], (B, S, D), dtype=jnp.float32),
        "memory_keys": jax.random.normal(ks[1], (M, DM), dtype=jnp.float32),
        "memory_values": jax.random.normal(ks[2], (M, PL, D), dtype=jnp.float32),
        "params": params,
    }


def reference(x, memory_keys, memory_values, params):
    return _forward(x, memory_keys, memory_values, params)

if __name__ == "__main__":
    import jax
    _d = setup_inputs()
    print(jax.jit(kernel)(*tuple(_d.values())))

</pallas_src>

<mosaic_0001>
#map = affine_map<(d0, d1) -> (0, 0)>
module attributes {stable_mosaic.version = 14 : i64} {
  func.func @k(%arg0: i32, %arg1: i32, %arg2: memref<100000x144xf32, #tpu.memory_space<hbm>>, %arg3: memref<64x80xi32, #tpu.memory_space<hbm>>, %arg4: memref<5120x144xf32, #tpu.memory_space<hbm>>, %arg5: memref<80xi32, #tpu.memory_space<vmem>>, %arg6: memref<80xi32, #tpu.memory_space<vmem>>, %arg7: memref<160x144xf32, #tpu.memory_space<vmem>>, %arg8: memref<!tpu.dma_semaphore, #tpu.memory_space<semaphore_mem>>) attributes {dimension_semantics = [#tpu.dimension_semantics<core_parallel>, #tpu.dimension_semantics<subcore_parallel>], iteration_bounds = array<i64: 2, 16>, scalar_prefetch = 0 : i64, scratch_operands = 4 : i64, tpu.core_type = #tpu.core_type<sc_vector_subcore>, window_params = [{transform_indices = #map}, {transform_indices = #map}, {transform_indices = #map}]} {
    %mul3A = arith.constant 2 : i32
    %mul3A_0 = arith.muli %arg1, %mul3A : i32
    %add3A = arith.addi %mul3A_0, %arg0 : i32
    %mul3A_1 = arith.constant 2 : i32
    %mul3A_2 = arith.muli %mul3A_1, %add3A : i32
    "tpu.region"() ({
      %run_scoped3A = tpu.sem_alloc : memref<!tpu.dma_semaphore, #tpu.memory_space<semaphore_mem>>
      %dma_start3A_31 = arith.constant 0 : i32
      %dma_start3A_32 = tpu.memref_slice %arg3[%mul3A_2, %dma_start3A_31] : memref<64x80xi32, #tpu.memory_space<hbm>> -> memref<1x80xi32, #tpu.memory_space<hbm>>
      %dma_start3A_33 = tpu.memref_squeeze %dma_start3A_32 : memref<1x80xi32, #tpu.memory_space<hbm>> -> memref<80xi32, #tpu.memory_space<hbm>>
      %dma_start3A_34 = arith.constant 0 : i32
      %dma_start3A_35 = tpu.memref_slice %arg3[%mul3A_2, %dma_start3A_34] : memref<64x80xi32, #tpu.memory_space<hbm>> -> memref<1x80xi32, #tpu.memory_space<hbm>>
      %dma_start3A_36 = tpu.memref_squeeze %dma_start3A_35 : memref<1x80xi32, #tpu.memory_space<hbm>> -> memref<80xi32, #tpu.memory_space<hbm>>
      tpu.enqueue_dma source(%dma_start3A_36 : memref<80xi32, #tpu.memory_space<hbm>>) target(%arg5 : memref<80xi32, #tpu.memory_space<vmem>>) target_semaphore(%run_scoped3A : memref<!tpu.dma_semaphore, #tpu.memory_space<semaphore_mem>>)
      %dma_wait3A_37 = arith.constant 0 : i32
      %dma_wait3A_38 = tpu.memref_slice %arg3[%mul3A_2, %dma_wait3A_37] : memref<64x80xi32, #tpu.memory_space<hbm>> -> memref<1x80xi32, #tpu.memory_space<hbm>>
      %dma_wait3A_39 = tpu.memref_squeeze %dma_wait3A_38 : memref<1x80xi32, #tpu.memory_space<hbm>> -> memref<80xi32, #tpu.memory_space<hbm>>
      %dma_wait3A_40 = arith.constant 0 : i32
      %dma_wait3A_41 = tpu.memref_slice %arg3[%mul3A_2, %dma_wait3A_40] : memref<64x80xi32, #tpu.memory_space<hbm>> -> memref<1x80xi32, #tpu.memory_space<hbm>>
      %dma_wait3A_42 = tpu.memref_squeeze %dma_wait3A_41 : memref<1x80xi32, #tpu.memory_space<hbm>> -> memref<80xi32, #tpu.memory_space<hbm>>
      tpu.wait_dma2 semaphore(%run_scoped3A : memref<!tpu.dma_semaphore, #tpu.memory_space<semaphore_mem>>) src(%dma_wait3A_42 : memref<80xi32, #tpu.memory_space<hbm>>) dst(%arg5 : memref<80xi32, #tpu.memory_space<vmem>>)
      tpu.yield
    }) : () -> ()
    %mul3A_3 = arith.constant 2 : i32
    %mul3A_4 = arith.muli %mul3A_3, %add3A : i32
    %add3A_5 = arith.constant 1 : i32
    %add3A_6 = arith.addi %mul3A_4, %add3A_5 : i32
    "tpu.region"() ({
      %run_scoped3A = tpu.sem_alloc : memref<!tpu.dma_semaphore, #tpu.memory_space<semaphore_mem>>
      %dma_start3A_31 = arith.constant 0 : i32
      %dma_start3A_32 = tpu.memref_slice %arg3[%add3A_6, %dma_start3A_31] : memref<64x80xi32, #tpu.memory_space<hbm>> -> memref<1x80xi32, #tpu.memory_space<hbm>>
      %dma_start3A_33 = tpu.memref_squeeze %dma_start3A_32 : memref<1x80xi32, #tpu.memory_space<hbm>> -> memref<80xi32, #tpu.memory_space<hbm>>
      %dma_start3A_34 = arith.constant 0 : i32
      %dma_start3A_35 = tpu.memref_slice %arg3[%add3A_6, %dma_start3A_34] : memref<64x80xi32, #tpu.memory_space<hbm>> -> memref<1x80xi32, #tpu.memory_space<hbm>>
      %dma_start3A_36 = tpu.memref_squeeze %dma_start3A_35 : memref<1x80xi32, #tpu.memory_space<hbm>> -> memref<80xi32, #tpu.memory_space<hbm>>
      tpu.enqueue_dma source(%dma_start3A_36 : memref<80xi32, #tpu.memory_space<hbm>>) target(%arg6 : memref<80xi32, #tpu.memory_space<vmem>>) target_semaphore(%run_scoped3A : memref<!tpu.dma_semaphore, #tpu.memory_space<semaphore_mem>>)
      %dma_wait3A_37 = arith.constant 0 : i32
      %dma_wait3A_38 = tpu.memref_slice %arg3[%add3A_6, %dma_wait3A_37] : memref<64x80xi32, #tpu.memory_space<hbm>> -> memref<1x80xi32, #tpu.memory_space<hbm>>
      %dma_wait3A_39 = tpu.memref_squeeze %dma_wait3A_38 : memref<1x80xi32, #tpu.memory_space<hbm>> -> memref<80xi32, #tpu.memory_space<hbm>>
      %dma_wait3A_40 = arith.constant 0 : i32
      %dma_wait3A_41 = tpu.memref_slice %arg3[%add3A_6, %dma_wait3A_40] : memref<64x80xi32, #tpu.memory_space<hbm>> -> memref<1x80xi32, #tpu.memory_space<hbm>>
      %dma_wait3A_42 = tpu.memref_squeeze %dma_wait3A_41 : memref<1x80xi32, #tpu.memory_space<hbm>> -> memref<80xi32, #tpu.memory_space<hbm>>
      tpu.wait_dma2 semaphore(%run_scoped3A : memref<!tpu.dma_semaphore, #tpu.memory_space<semaphore_mem>>) src(%dma_wait3A_42 : memref<80xi32, #tpu.memory_space<hbm>>) dst(%arg6 : memref<80xi32, #tpu.memory_space<vmem>>)
      tpu.yield
    }) : () -> ()
    %dma_start3A = arith.constant 0 : i32
    %dma_start3A_7 = arith.constant 0 : i32
    %dma_start3A_8 = tpu.memref_slice %arg7[%dma_start3A, %dma_start3A_7] : memref<160x144xf32, #tpu.memory_space<vmem>> -> memref<80x144xf32, #tpu.memory_space<vmem>>
    %dma_start3A_9 = arith.constant 0 : i32
    %dma_start3A_10 = arith.constant 0 : i32
    %dma_start3A_11 = tpu.memref_slice %arg2[%dma_start3A_9, %dma_start3A_10] : memref<100000x144xf32, #tpu.memory_space<hbm>> -> memref<100000x144xf32, #tpu.memory_space<hbm>>
    tpu.enqueue_indirect_dma source(%dma_start3A_11 : memref<100000x144xf32, #tpu.memory_space<hbm>>) target(%dma_start3A_8 : memref<80x144xf32, #tpu.memory_space<vmem>>) offsets(%arg5 : memref<80xi32, #tpu.memory_space<vmem>>) semaphore(%arg8 : memref<!tpu.dma_semaphore, #tpu.memory_space<semaphore_mem>>)
    %dma_wait3A = arith.constant 0 : i32
    %dma_wait3A_12 = arith.constant 0 : i32
    %dma_wait3A_13 = tpu.memref_slice %arg7[%dma_wait3A, %dma_wait3A_12] : memref<160x144xf32, #tpu.memory_space<vmem>> -> memref<80x144xf32, #tpu.memory_space<vmem>>
    %dma_wait3A_14 = arith.constant 0 : i32
    %dma_wait3A_15 = arith.constant 0 : i32
    %dma_wait3A_16 = tpu.memref_slice %arg2[%dma_wait3A_14, %dma_wait3A_15] : memref<100000x144xf32, #tpu.memory_space<hbm>> -> memref<100000x144xf32, #tpu.memory_space<hbm>>
    tpu.wait_indirect_dma semaphore(%arg8 : memref<!tpu.dma_semaphore, #tpu.memory_space<semaphore_mem>>) src(%dma_wait3A_16 : memref<100000x144xf32, #tpu.memory_space<hbm>>) dst(%dma_wait3A_13 : memref<80x144xf32, #tpu.memory_space<vmem>>)
    %dma_start3A_17 = arith.constant 80 : i32
    %dma_start3A_18 = arith.constant 0 : i32
    %dma_start3A_19 = tpu.memref_slice %arg7[%dma_start3A_17, %dma_start3A_18] : memref<160x144xf32, #tpu.memory_space<vmem>> -> memref<80x144xf32, #tpu.memory_space<vmem>>
    %dma_start3A_20 = arith.constant 0 : i32
    %dma_start3A_21 = arith.constant 0 : i32
    %dma_start3A_22 = tpu.memref_slice %arg2[%dma_start3A_20, %dma_start3A_21] : memref<100000x144xf32, #tpu.memory_space<hbm>> -> memref<100000x144xf32, #tpu.memory_space<hbm>>
    tpu.enqueue_indirect_dma source(%dma_start3A_22 : memref<100000x144xf32, #tpu.memory_space<hbm>>) target(%dma_start3A_19 : memref<80x144xf32, #tpu.memory_space<vmem>>) offsets(%arg6 : memref<80xi32, #tpu.memory_space<vmem>>) semaphore(%arg8 : memref<!tpu.dma_semaphore, #tpu.memory_space<semaphore_mem>>)
    %dma_wait3A_23 = arith.constant 80 : i32
    %dma_wait3A_24 = arith.constant 0 : i32
    %dma_wait3A_25 = tpu.memref_slice %arg7[%dma_wait3A_23, %dma_wait3A_24] : memref<160x144xf32, #tpu.memory_space<vmem>> -> memref<80x144xf32, #tpu.memory_space<vmem>>
    %dma_wait3A_26 = arith.constant 0 : i32
    %dma_wait3A_27 = arith.constant 0 : i32
    %dma_wait3A_28 = tpu.memref_slice %arg2[%dma_wait3A_26, %dma_wait3A_27] : memref<100000x144xf32, #tpu.memory_space<hbm>> -> memref<100000x144xf32, #tpu.memory_space<hbm>>
    tpu.wait_indirect_dma semaphore(%arg8 : memref<!tpu.dma_semaphore, #tpu.memory_space<semaphore_mem>>) src(%dma_wait3A_28 : memref<100000x144xf32, #tpu.memory_space<hbm>>) dst(%dma_wait3A_25 : memref<80x144xf32, #tpu.memory_space<vmem>>)
    %mul3A_29 = arith.constant 160 : i32
    %mul3A_30 = arith.muli %add3A, %mul3A_29 : i32
    "tpu.region"() ({
      %run_scoped3A = tpu.sem_alloc : memref<!tpu.dma_semaphore, #tpu.memory_space<semaphore_mem>>
      %dma_start3A_31 = arith.constant 0 : i32
      %dma_start3A_32 = tpu.memref_slice %arg4[%mul3A_30, %dma_start3A_31] : memref<5120x144xf32, #tpu.memory_space<hbm>> -> memref<160x144xf32, #tpu.memory_space<hbm>>
      %dma_start3A_33 = arith.constant 0 : i32
      %dma_start3A_34 = tpu.memref_slice %arg4[%mul3A_30, %dma_start3A_33] : memref<5120x144xf32, #tpu.memory_space<hbm>> -> memref<160x144xf32, #tpu.memory_space<hbm>>
      tpu.enqueue_dma source(%arg7 : memref<160x144xf32, #tpu.memory_space<vmem>>) target(%dma_start3A_34 : memref<160x144xf32, #tpu.memory_space<hbm>>) target_semaphore(%run_scoped3A : memref<!tpu.dma_semaphore, #tpu.memory_space<semaphore_mem>>)
      %dma_wait3A_35 = arith.constant 0 : i32
      %dma_wait3A_36 = tpu.memref_slice %arg4[%mul3A_30, %dma_wait3A_35] : memref<5120x144xf32, #tpu.memory_space<hbm>> -> memref<160x144xf32, #tpu.memory_space<hbm>>
      %dma_wait3A_37 = arith.constant 0 : i32
      %dma_wait3A_38 = tpu.memref_slice %arg4[%mul3A_30, %dma_wait3A_37] : memref<5120x144xf32, #tpu.memory_space<hbm>> -> memref<160x144xf32, #tpu.memory_space<hbm>>
      tpu.wait_dma2 semaphore(%run_scoped3A : memref<!tpu.dma_semaphore, #tpu.memory_space<semaphore_mem>>) src(%arg7 : memref<160x144xf32, #tpu.memory_space<vmem>>) dst(%dma_wait3A_38 : memref<160x144xf32, #tpu.memory_space<hbm>>)
      tpu.yield
    }) : () -> ()
    return
  }
}

module attributes {stable_mosaic.version = 14 : i64} {
  func.func @_topk_body(%arg0: i32, %arg1: i32, %arg2: memref<256x64xf32, #tpu.memory_space<vmem>>, %arg3: memref<2048x64xf32, #tpu.memory_space<vmem>>, %arg4: memref<256x8xf32, #tpu.memory_space<vmem>>, %arg5: memref<256x8xi32, #tpu.memory_space<vmem>>, %arg6: memref<256x8xf32, #tpu.memory_space<vmem>>, %arg7: memref<256x8xi32, #tpu.memory_space<vmem>>) attributes {dimension_semantics = [#tpu.dimension_semantics<arbitrary>, #tpu.dimension_semantics<arbitrary>], iteration_bounds = array<i64: 4, 49>, scalar_prefetch = 0 : i64, scratch_operands = 2 : i64, tpu.core_type = #tpu.core_type<tc>, window_params = [{transform_indices = @transform_0, window_bounds = array<i64: 256, 64>}, {transform_indices = @transform_1, window_bounds = array<i64: 2048, 64>}, {transform_indices = @transform_2, window_bounds = array<i64: 256, 8>}, {transform_indices = @transform_3, window_bounds = array<i64: 256, 8>}]} {
    %eq3A = arith.constant 0 : i32
    %eq3A_0 = arith.cmpi eq, %arg1, %eq3A : i32
    %convert_element_type3A = arith.extui %eq3A_0 : i1 to i32
    %cond3A = arith.constant 0 : i32
    %cond3A_1 = arith.cmpi ne, %convert_element_type3A, %cond3A : i32
    scf.if %cond3A_1 {
      %broadcast_in_dim3A_228 = arith.constant -1.000000e+30 : f32
      %broadcast_in_dim3A_229 = vector.broadcast %broadcast_in_dim3A_228 : f32 to vector<256x8xf32>
      %swap3A_230 = arith.constant 0 : index
      %swap3A_231 = arith.constant 0 : index
      %swap3A_232 = vector.load %arg6[%swap3A_230, %swap3A_231] : memref<256x8xf32, #tpu.memory_space<vmem>>, vector<256x8xf32>
      tpu.vector_store %arg6[%swap3A_230, %swap3A_231], %broadcast_in_dim3A_229 {strides = array<i32>} : memref<256x8xf32, #tpu.memory_space<vmem>>, vector<256x8xf32>,
      %broadcast_in_dim3A_233 = arith.constant 0 : i32
      %broadcast_in_dim3A_234 = vector.broadcast %broadcast_in_dim3A_233 : i32 to vector<256x8xi32>
      %swap3A_235 = arith.constant 0 : index
      %swap3A_236 = arith.constant 0 : index
      %swap3A_237 = vector.load %arg7[%swap3A_235, %swap3A_236] : memref<256x8xi32, #tpu.memory_space<vmem>>, vector<256x8xi32>
      tpu.vector_store %arg7[%swap3A_235, %swap3A_236], %broadcast_in_dim3A_234 {strides = array<i32>} : memref<256x8xi32, #tpu.memory_space<vmem>>, vector<256x8xi32>,
    } else {
    }
    %get3A = arith.constant 0 : index
    %get3A_2 = arith.constant 0 : index
    %get3A_3 = vector.load %arg3[%get3A, %get3A_2] : memref<2048x64xf32, #tpu.memory_space<vmem>>, vector<2048x64xf32>
    %mul3A = arith.mulf %get3A_3, %get3A_3 : vector<2048x64xf32>
    %reduce_sum3A = arith.constant dense<0.000000e+00> : vector<2048xf32>
    %reduce_sum3A_4 = vector.multi_reduction <add>, %mul3A, %reduce_sum3A [1] : vector<2048x64xf32> to vector<2048xf32>
    %broadcast_in_dim3A = vector.shape_cast %reduce_sum3A_4 : vector<2048xf32> to vector<2048x1xf32>
    %max3A = arith.constant 1.000000e-24 : f32
    %max3A_5 = vector.broadcast %max3A : f32 to vector<2048x1xf32>
    %max3A_6 = arith.maximumf %broadcast_in_dim3A, %max3A_5 : vector<2048x1xf32>
    %rsqrt3A = math.rsqrt %max3A_6 : vector<2048x1xf32>
    %mul3A_7 = vector.broadcast %rsqrt3A : vector<2048x1xf32> to vector<2048x64xf32>
    %mul3A_8 = arith.mulf %get3A_3, %mul3A_7 : vector<2048x64xf32>
    %get3A_9 = arith.constant 0 : index
    %get3A_10 = arith.constant 0 : index
    %get3A_11 = vector.load %arg2[%get3A_9, %get3A_10] : memref<256x64xf32, #tpu.memory_space<vmem>>, vector<256x64xf32>
    %dot_general3A = arith.constant dense<0.000000e+00> : vector<256x2048xf32>
    %dot_general3A_12 = tpu.matmul %get3A_11, %mul3A_8, %dot_general3A {dimension_numbers = #tpu.dot_dimension_numbers<[1], [1], [0], [0], [0, 0, 1, 0], [], []>, transpose_lhs_hint = false} : vector<256x64xf32>, vector<2048x64xf32>, vector<256x2048xf32> -> vector<256x2048xf32>
    %iota3A = tpu.iota {dimensions = array<i32: 1>} : vector<256x2048xi32>
    %mul3A_13 = arith.constant 2048 : i32
    %mul3A_14 = arith.muli %arg1, %mul3A_13 : i32
    %add3A = vector.broadcast %mul3A_14 : i32 to vector<256x2048xi32>
    %add3A_15 = arith.addi %add3A, %iota3A : vector<256x2048xi32>
    %lt3A = arith.constant 100000 : i32
    %lt3A_16 = vector.broadcast %lt3A : i32 to vector<256x2048xi32>
    %lt3A_17 = arith.cmpi slt, %add3A_15, %lt3A_16 : vector<256x2048xi32>
    %jit3A = arith.constant -1.000000e+30 : f32
    %broadcast_in_dim3A_18 = vector.broadcast %jit3A : f32 to vector<256x2048xf32>
    %select_n3A = arith.select %lt3A_17, %dot_general3A_12, %broadcast_in_dim3A_18 : vector<256x2048xi1>, vector<256x2048xf32>
    %get3A_19 = arith.constant 0 : index
    %get3A_20 = arith.constant 0 : index
    %get3A_21 = vector.load %arg6[%get3A_19, %get3A_20] : memref<256x8xf32, #tpu.memory_space<vmem>>, vector<256x8xf32>
    %get3A_22 = arith.constant 0 : index
    %get3A_23 = arith.constant 0 : index
    %get3A_24 = vector.load %arg7[%get3A_22, %get3A_23] : memref<256x8xi32, #tpu.memory_space<vmem>>, vector<256x8xi32>
    %reduce_max3A = arith.constant dense<0xFF800000> : vector<256xf32>
    %reduce_max3A_25 = vector.multi_reduction <maximumf>, %select_n3A, %reduce_max3A [1] : vector<256x2048xf32> to vector<256xf32>
    %broadcast_in_dim3A_26 = vector.shape_cast %reduce_max3A_25 : vector<256xf32> to vector<256x1xf32>
    %eq3A_27 = vector.broadcast %broadcast_in_dim3A_26 : vector<256x1xf32> to vector<256x2048xf32>
    %eq3A_28 = arith.cmpf oeq, %select_n3A, %eq3A_27 : vector<256x2048xf32>
    %jit3A_29 = arith.constant 1073741824 : i32
    %broadcast_in_dim3A_30 = vector.broadcast %jit3A_29 : i32 to vector<256x2048xi32>
    %select_n3A_31 = arith.select %eq3A_28, %iota3A, %broadcast_in_dim3A_30 : vector<256x2048xi1>, vector<256x2048xi32>
    %reduce_min3A = arith.constant dense<2147483647> : vector<256xi32>
    %reduce_min3A_32 = vector.multi_reduction <minsi>, %select_n3A_31, %reduce_min3A [1] : vector<256x2048xi32> to vector<256xi32>
    %broadcast_in_dim3A_33 = vector.shape_cast %reduce_min3A_32 : vector<256xi32> to vector<256x1xi32>
    %eq3A_34 = vector.broadcast %broadcast_in_dim3A_33 : vector<256x1xi32> to vector<256x2048xi32>
    %eq3A_35 = arith.cmpi eq, %iota3A, %eq3A_34 : vector<256x2048xi32>
    %jit3A_36 = arith.constant -1.000000e+30 : f32
    %broadcast_in_dim3A_37 = vector.broadcast %jit3A_36 : f32 to vector<256x2048xf32>
    %select_n3A_38 = arith.select %eq3A_35, %broadcast_in_dim3A_37, %select_n3A : vector<256x2048xi1>, vector<256x2048xf32>
    %mul3A_39 = arith.constant 2048 : i32
    %mul3A_40 = arith.muli %arg1, %mul3A_39 : i32
    %add3A_41 = vector.broadcast %mul3A_40 : i32 to vector<256x1xi32>
    %add3A_42 = arith.addi %add3A_41, %broadcast_in_dim3A_33 : vector<256x1xi32>
    %slice3A = vector.extract_strided_slice %get3A_21 {offsets = [0, 0], sizes = [256, 4], strides = [1, 1]} : vector<256x8xf32> to vector<256x4xf32>
    %concatenate3A = tpu.concatenate %broadcast_in_dim3A_26, %slice3A in 1 : vector<256x1xf32>, vector<256x4xf32> -> vector<256x5xf32>
    %slice3A_43 = vector.extract_strided_slice %get3A_24 {offsets = [0, 0], sizes = [256, 4], strides = [1, 1]} : vector<256x8xi32> to vector<256x4xi32>
    %concatenate3A_44 = tpu.concatenate %add3A_42, %slice3A_43 in 1 : vector<256x1xi32>, vector<256x4xi32> -> vector<256x5xi32>
    %min3A = vector.broadcast %broadcast_in_dim3A_26 : vector<256x1xf32> to vector<256x5xf32>
    %min3A_45 = arith.minimumf %concatenate3A, %min3A : vector<256x5xf32>
    %le3A = vector.broadcast %broadcast_in_dim3A_26 : vector<256x1xf32> to vector<256x5xf32>
    %le3A_46 = arith.cmpf ole, %le3A, %concatenate3A : vector<256x5xf32>
    %broadcast_in_dim3A_47 = vector.shape_cast %add3A_42 : vector<256x1xi32> to vector<256x1xi32>
    %broadcast_in_dim3A_48 = vector.broadcast %broadcast_in_dim3A_47 : vector<256x1xi32> to vector<256x5xi32>
    %select_n3A_49 = arith.select %le3A_46, %broadcast_in_dim3A_48, %concatenate3A_44 : vector<256x5xi1>, vector<256x5xi32>
    %slice3A_50 = vector.extract_strided_slice %get3A_21 {offsets = [0, 0], sizes = [256, 5], strides = [1, 1]} : vector<256x8xf32> to vector<256x5xf32>
    %gt3A = arith.cmpf ogt, %min3A_45, %slice3A_50 : vector<256x5xf32>
    %slice3A_51 = vector.extract_strided_slice %get3A_21 {offsets = [0, 0], sizes = [256, 5], strides = [1, 1]} : vector<256x8xf32> to vector<256x5xf32>
    %select_n3A_52 = arith.select %gt3A, %min3A_45, %slice3A_51 : vector<256x5xi1>, vector<256x5xf32>
    %slice3A_53 = vector.extract_strided_slice %get3A_24 {offsets = [0, 0], sizes = [256, 5], strides = [1, 1]} : vector<256x8xi32> to vector<256x5xi32>
    %select_n3A_54 = arith.select %gt3A, %select_n3A_49, %slice3A_53 : vector<256x5xi1>, vector<256x5xi32>
    %slice3A_55 = vector.extract_strided_slice %get3A_21 {offsets = [0, 5], sizes = [256, 3], strides = [1, 1]} : vector<256x8xf32> to vector<256x3xf32>
    %concatenate3A_56 = tpu.concatenate %select_n3A_52, %slice3A_55 in 1 : vector<256x5xf32>, vector<256x3xf32> -> vector<256x8xf32>
    %slice3A_57 = vector.extract_strided_slice %get3A_24 {offsets = [0, 5], sizes = [256, 3], strides = [1, 1]} : vector<256x8xi32> to vector<256x3xi32>
    %concatenate3A_58 = tpu.concatenate %select_n3A_54, %slice3A_57 in 1 : vector<256x5xi32>, vector<256x3xi32> -> vector<256x8xi32>
    %reduce_max3A_59 = arith.constant dense<0xFF800000> : vector<256xf32>
    %reduce_max3A_60 = vector.multi_reduction <maximumf>, %select_n3A_38, %reduce_max3A_59 [1] : vector<256x2048xf32> to vector<256xf32>
    %broadcast_in_dim3A_61 = vector.shape_cast %reduce_max3A_60 : vector<256xf32> to vector<256x1xf32>
    %eq3A_62 = vector.broadcast %broadcast_in_dim3A_61 : vector<256x1xf32> to vector<256x2048xf32>
    %eq3A_63 = arith.cmpf oeq, %select_n3A_38, %eq3A_62 : vector<256x2048xf32>
    %jit3A_64 = arith.constant 1073741824 : i32
    %broadcast_in_dim3A_65 = vector.broadcast %jit3A_64 : i32 to vector<256x2048xi32>
    %select_n3A_66 = arith.select %eq3A_63, %iota3A, %broadcast_in_dim3A_65 : vector<256x2048xi1>, vector<256x2048xi32>
    %reduce_min3A_67 = arith.constant dense<2147483647> : vector<256xi32>
    %reduce_min3A_68 = vector.multi_reduction <minsi>, %select_n3A_66, %reduce_min3A_67 [1] : vector<256x2048xi32> to vector<256xi32>
    %broadcast_in_dim3A_69 = vector.shape_cast %reduce_min3A_68 : vector<256xi32> to vector<256x1xi32>
    %eq3A_70 = vector.broadcast %broadcast_in_dim3A_69 : vector<256x1xi32> to vector<256x2048xi32>
    %eq3A_71 = arith.cmpi eq, %iota3A, %eq3A_70 : vector<256x2048xi32>
    %jit3A_72 = arith.constant -1.000000e+30 : f32
    %broadcast_in_dim3A_73 = vector.broadcast %jit3A_72 : f32 to vector<256x2048xf32>
    %select_n3A_74 = arith.select %eq3A_71, %broadcast_in_dim3A_73, %select_n3A_38 : vector<256x2048xi1>, vector<256x2048xf32>
    %mul3A_75 = arith.constant 2048 : i32
    %mul3A_76 = arith.muli %arg1, %mul3A_75 : i32
    %add3A_77 = vector.broadcast %mul3A_76 : i32 to vector<256x1xi32>
    %add3A_78 = arith.addi %add3A_77, %broadcast_in_dim3A_69 : vector<256x1xi32>
    %slice3A_79 = vector.extract_strided_slice %concatenate3A_56 {offsets = [0, 0], sizes = [256, 4], strides = [1, 1]} : vector<256x8xf32> to vector<256x4xf32>
    %concatenate3A_80 = tpu.concatenate %broadcast_in_dim3A_61, %slice3A_79 in 1 : vector<256x1xf32>, vector<256x4xf32> -> vector<256x5xf32>
    %slice3A_81 = vector.extract_strided_slice %concatenate3A_58 {offsets = [0, 0], sizes = [256, 4], strides = [1, 1]} : vector<256x8xi32> to vector<256x4xi32>
    %concatenate3A_82 = tpu.concatenate %add3A_78, %slice3A_81 in 1 : vector<256x1xi32>, vector<256x4xi32> -> vector<256x5xi32>
    %min3A_83 = vector.broadcast %broadcast_in_dim3A_61 : vector<256x1xf32> to vector<256x5xf32>
    %min3A_84 = arith.minimumf %concatenate3A_80, %min3A_83 : vector<256x5xf32>
    %le3A_85 = vector.broadcast %broadcast_in_dim3A_61 : vector<256x1xf32> to vector<256x5xf32>
    %le3A_86 = arith.cmpf ole, %le3A_85, %concatenate3A_80 : vector<256x5xf32>
    %broadcast_in_dim3A_87 = vector.shape_cast %add3A_78 : vector<256x1xi32> to vector<256x1xi32>
    %broadcast_in_dim3A_88 = vector.broadcast %broadcast_in_dim3A_87 : vector<256x1xi32> to vector<256x5xi32>
    %select_n3A_89 = arith.select %le3A_86, %broadcast_in_dim3A_88, %concatenate3A_82 : vector<256x5xi1>, vector<256x5xi32>
    %slice3A_90 = vector.extract_strided_slice %concatenate3A_56 {offsets = [0, 0], sizes = [256, 5], strides = [1, 1]} : vector<256x8xf32> to vector<256x5xf32>
    %gt3A_91 = arith.cmpf ogt, %min3A_84, %slice3A_90 : vector<256x5xf32>
    %slice3A_92 = vector.extract_strided_slice %concatenate3A_56 {offsets = [0, 0], sizes = [256, 5], strides = [1, 1]} : vector<256x8xf32> to vector<256x5xf32>
    %select_n3A_93 = arith.select %gt3A_91, %min3A_84, %slice3A_92 : vector<256x5xi1>, vector<256x5xf32>
    %slice3A_94 = vector.extract_strided_slice %concatenate3A_58 {offsets = [0, 0], sizes = [256, 5], strides = [1, 1]} : vector<256x8xi32> to vector<256x5xi32>
    %select_n3A_95 = arith.select %gt3A_91, %select_n3A_89, %slice3A_94 : vector<256x5xi1>, vector<256x5xi32>
    %slice3A_96 = vector.extract_strided_slice %concatenate3A_56 {offsets = [0, 5], sizes = [256, 3], strides = [1, 1]} : vector<256x8xf32> to vector<256x3xf32>
    %concatenate3A_97 = tpu.concatenate %select_n3A_93, %slice3A_96 in 1 : vector<256x5xf32>, vector<256x3xf32> -> vector<256x8xf32>
    %slice3A_98 = vector.extract_strided_slice %concatenate3A_58 {offsets = [0, 5], sizes = [256, 3], strides = [1, 1]} : vector<256x8xi32> to vector<256x3xi32>
    %concatenate3A_99 = tpu.concatenate %select_n3A_95, %slice3A_98 in 1 : vector<256x5xi32>, vector<256x3xi32> -> vector<256x8xi32>
    %reduce_max3A_100 = arith.constant dense<0xFF800000> : vector<256xf32>
    %reduce_max3A_101 = vector.multi_reduction <maximumf>, %select_n3A_74, %reduce_max3A_100 [1] : vector<256x2048xf32> to vector<256xf32>
    %broadcast_in_dim3A_102 = vector.shape_cast %reduce_max3A_101 : vector<256xf32> to vector<256x1xf32>
    %eq3A_103 = vector.broadcast %broadcast_in_dim3A_102 : vector<256x1xf32> to vector<256x2048xf32>
    %eq3A_104 = arith.cmpf oeq, %select_n3A_74, %eq3A_103 : vector<256x2048xf32>
    %jit3A_105 = arith.constant 1073741824 : i32
    %broadcast_in_dim3A_106 = vector.broadcast %jit3A_105 : i32 to vector<256x2048xi32>
    %select_n3A_107 = arith.select %eq3A_104, %iota3A, %broadcast_in_dim3A_106 : vector<256x2048xi1>, vector<256x2048xi32>
    %reduce_min3A_108 = arith.constant dense<2147483647> : vector<256xi32>
    %reduce_min3A_109 = vector.multi_reduction <minsi>, %select_n3A_107, %reduce_min3A_108 [1] : vector<256x2048xi32> to vector<256xi32>
    %broadcast_in_dim3A_110 = vector.shape_cast %reduce_min3A_109 : vector<256xi32> to vector<256x1xi32>
    %eq3A_111 = vector.broadcast %broadcast_in_dim3A_110 : vector<256x1xi32> to vector<256x2048xi32>
    %eq3A_112 = arith.cmpi eq, %iota3A, %eq3A_111 : vector<256x2048xi32>
    %jit3A_113 = arith.constant -1.000000e+30 : f32
    %broadcast_in_dim3A_114 = vector.broadcast %jit3A_113 : f32 to vector<256x2048xf32>
    %select_n3A_115 = arith.select %eq3A_112, %broadcast_in_dim3A_114, %select_n3A_74 : vector<256x2048xi1>, vector<256x2048xf32>
    %mul3A_116 = arith.constant 2048 : i32
    %mul3A_117 = arith.muli %arg1, %mul3A_116 : i32
    %add3A_118 = vector.broadcast %mul3A_117 : i32 to vector<256x1xi32>
    %add3A_119 = arith.addi %add3A_118, %broadcast_in_dim3A_110 : vector<256x1xi32>
    %slice3A_120 = vector.extract_strided_slice %concatenate3A_97 {offsets = [0, 0], sizes = [256, 4], strides = [1, 1]} : vector<256x8xf32> to vector<256x4xf32>
    %concatenate3A_121 = tpu.concatenate %broadcast_in_dim3A_102, %slice3A_120 in 1 : vector<256x1xf32>, vector<256x4xf32> -> vector<256x5xf32>
    %slice3A_122 = vector.extract_strided_slice %concatenate3A_99 {offsets = [0, 0], sizes = [256, 4], strides = [1, 1]} : vector<256x8xi32> to vector<256x4xi32>
    %concatenate3A_123 = tpu.concatenate %add3A_119, %slice3A_122 in 1 : vector<256x1xi32>, vector<256x4xi32> -> vector<256x5xi32>
    %min3A_124 = vector.broadcast %broadcast_in_dim3A_102 : vector<256x1xf32> to vector<256x5xf32>
    %min3A_125 = arith.minimumf %concatenate3A_121, %min3A_124 : vector<256x5xf32>
    %le3A_126 = vector.broadcast %broadcast_in_dim3A_102 : vector<256x1xf32> to vector<256x5xf32>
    %le3A_127 = arith.cmpf ole, %le3A_126, %concatenate3A_121 : vector<256x5xf32>
    %broadcast_in_dim3A_128 = vector.shape_cast %add3A_119 : vector<256x1xi32> to vector<256x1xi32>
    %broadcast_in_dim3A_129 = vector.broadcast %broadcast_in_dim3A_128 : vector<256x1xi32> to vector<256x5xi32>
    %select_n3A_130 = arith.select %le3A_127, %broadcast_in_dim3A_129, %concatenate3A_123 : vector<256x5xi1>, vector<256x5xi32>
    %slice3A_131 = vector.extract_strided_slice %concatenate3A_97 {offsets = [0, 0], sizes = [256, 5], strides = [1, 1]} : vector<256x8xf32> to vector<256x5xf32>
    %gt3A_132 = arith.cmpf ogt, %min3A_125, %slice3A_131 : vector<256x5xf32>
    %slice3A_133 = vector.extract_strided_slice %concatenate3A_97 {offsets = [0, 0], sizes = [256, 5], strides = [1, 1]} : vector<256x8xf32> to vector<256x5xf32>
    %select_n3A_134 = arith.select %gt3A_132, %min3A_125, %slice3A_133 : vector<256x5xi1>, vector<256x5xf32>
    %slice3A_135 = vector.extract_strided_slice %concatenate3A_99 {offsets = [0, 0], sizes = [256, 5], strides = [1, 1]} : vector<256x8xi32> to vector<256x5xi32>
    %select_n3A_136 = arith.select %gt3A_132, %select_n3A_130, %slice3A_135 : vector<256x5xi1>, vector<256x5xi32>
    %slice3A_137 = vector.extract_strided_slice %concatenate3A_97 {offsets = [0, 5], sizes = [256, 3], strides = [1, 1]} : vector<256x8xf32> to vector<256x3xf32>
    %concatenate3A_138 = tpu.concatenate %select_n3A_134, %slice3A_137 in 1 : vector<256x5xf32>, vector<256x3xf32> -> vector<256x8xf32>
    %slice3A_139 = vector.extract_strided_slice %concatenate3A_99 {offsets = [0, 5], sizes = [256, 3], strides = [1, 1]} : vector<256x8xi32> to vector<256x3xi32>
    %concatenate3A_140 = tpu.concatenate %select_n3A_136, %slice3A_139 in 1 : vector<256x5xi32>, vector<256x3xi32> -> vector<256x8xi32>
    %reduce_max3A_141 = arith.constant dense<0xFF800000> : vector<256xf32>
    %reduce_max3A_142 = vector.multi_reduction <maximumf>, %select_n3A_115, %reduce_max3A_141 [1] : vector<256x2048xf32> to vector<256xf32>
    %broadcast_in_dim3A_143 = vector.shape_cast %reduce_max3A_142 : vector<256xf32> to vector<256x1xf32>
    %eq3A_144 = vector.broadcast %broadcast_in_dim3A_143 : vector<256x1xf32> to vector<256x2048xf32>
    %eq3A_145 = arith.cmpf oeq, %select_n3A_115, %eq3A_144 : vector<256x2048xf32>
    %jit3A_146 = arith.constant 1073741824 : i32
    %broadcast_in_dim3A_147 = vector.broadcast %jit3A_146 : i32 to vector<256x2048xi32>
    %select_n3A_148 = arith.select %eq3A_145, %iota3A, %broadcast_in_dim3A_147 : vector<256x2048xi1>, vector<256x2048xi32>
    %reduce_min3A_149 = arith.constant dense<2147483647> : vector<256xi32>
    %reduce_min3A_150 = vector.multi_reduction <minsi>, %select_n3A_148, %reduce_min3A_149 [1] : vector<256x2048xi32> to vector<256xi32>
    %broadcast_in_dim3A_151 = vector.shape_cast %reduce_min3A_150 : vector<256xi32> to vector<256x1xi32>
    %eq3A_152 = vector.broadcast %broadcast_in_dim3A_151 : vector<256x1xi32> to vector<256x2048xi32>
    %eq3A_153 = arith.cmpi eq, %iota3A, %eq3A_152 : vector<256x2048xi32>
    %jit3A_154 = arith.constant -1.000000e+30 : f32
    %broadcast_in_dim3A_155 = vector.broadcast %jit3A_154 : f32 to vector<256x2048xf32>
    %select_n3A_156 = arith.select %eq3A_153, %broadcast_in_dim3A_155, %select_n3A_115 : vector<256x2048xi1>, vector<256x2048xf32>
    %mul3A_157 = arith.constant 2048 : i32
    %mul3A_158 = arith.muli %arg1, %mul3A_157 : i32
    %add3A_159 = vector.broadcast %mul3A_158 : i32 to vector<256x1xi32>
    %add3A_160 = arith.addi %add3A_159, %broadcast_in_dim3A_151 : vector<256x1xi32>
    %slice3A_161 = vector.extract_strided_slice %concatenate3A_138 {offsets = [0, 0], sizes = [256, 4], strides = [1, 1]} : vector<256x8xf32> to vector<256x4xf32>
    %concatenate3A_162 = tpu.concatenate %broadcast_in_dim3A_143, %slice3A_161 in 1 : vector<256x1xf32>, vector<256x4xf32> -> vector<256x5xf32>
    %slice3A_163 = vector.extract_strided_slice %concatenate3A_140 {offsets = [0, 0], sizes = [256, 4], strides = [1, 1]} : vector<256x8xi32> to vector<256x4xi32>
    %concatenate3A_164 = tpu.concatenate %add3A_160, %slice3A_163 in 1 : vector<256x1xi32>, vector<256x4xi32> -> vector<256x5xi32>
    %min3A_165 = vector.broadcast %broadcast_in_dim3A_143 : vector<256x1xf32> to vector<256x5xf32>
    %min3A_166 = arith.minimumf %concatenate3A_162, %min3A_165 : vector<256x5xf32>
    %le3A_167 = vector.broadcast %broadcast_in_dim3A_143 : vector<256x1xf32> to vector<256x5xf32>
    %le3A_168 = arith.cmpf ole, %le3A_167, %concatenate3A_162 : vector<256x5xf32>
    %broadcast_in_dim3A_169 = vector.shape_cast %add3A_160 : vector<256x1xi32> to vector<256x1xi32>
    %broadcast_in_dim3A_170 = vector.broadcast %broadcast_in_dim3A_169 : vector<256x1xi32> to vector<256x5xi32>
    %select_n3A_171 = arith.select %le3A_168, %broadcast_in_dim3A_170, %concatenate3A_164 : vector<256x5xi1>, vector<256x5xi32>
    %slice3A_172 = vector.extract_strided_slice %concatenate3A_138 {offsets = [0, 0], sizes = [256, 5], strides = [1, 1]} : vector<256x8xf32> to vector<256x5xf32>
    %gt3A_173 = arith.cmpf ogt, %min3A_166, %slice3A_172 : vector<256x5xf32>
    %slice3A_174 = vector.extract_strided_slice %concatenate3A_138 {offsets = [0, 0], sizes = [256, 5], strides = [1, 1]} : vector<256x8xf32> to vector<256x5xf32>
    %select_n3A_175 = arith.select %gt3A_173, %min3A_166, %slice3A_174 : vector<256x5xi1>, vector<256x5xf32>
    %slice3A_176 = vector.extract_strided_slice %concatenate3A_140 {offsets = [0, 0], sizes = [256, 5], strides = [1, 1]} : vector<256x8xi32> to vector<256x5xi32>
    %select_n3A_177 = arith.select %gt3A_173, %select_n3A_171, %slice3A_176 : vector<256x5xi1>, vector<256x5xi32>
    %slice3A_178 = vector.extract_strided_slice %concatenate3A_138 {offsets = [0, 5], sizes = [256, 3], strides = [1, 1]} : vector<256x8xf32> to vector<256x3xf32>
    %concatenate3A_179 = tpu.concatenate %select_n3A_175, %slice3A_178 in 1 : vector<256x5xf32>, vector<256x3xf32> -> vector<256x8xf32>
    %slice3A_180 = vector.extract_strided_slice %concatenate3A_140 {offsets = [0, 5], sizes = [256, 3], strides = [1, 1]} : vector<256x8xi32> to vector<256x3xi32>
    %concatenate3A_181 = tpu.concatenate %select_n3A_177, %slice3A_180 in 1 : vector<256x5xi32>, vector<256x3xi32> -> vector<256x8xi32>
    %reduce_max3A_182 = arith.constant dense<0xFF800000> : vector<256xf32>
    %reduce_max3A_183 = vector.multi_reduction <maximumf>, %select_n3A_156, %reduce_max3A_182 [1] : vector<256x2048xf32> to vector<256xf32>
    %broadcast_in_dim3A_184 = vector.shape_cast %reduce_max3A_183 : vector<256xf32> to vector<256x1xf32>
    %eq3A_185 = vector.broadcast %broadcast_in_dim3A_184 : vector<256x1xf32> to vector<256x2048xf32>
    %eq3A_186 = arith.cmpf oeq, %select_n3A_156, %eq3A_185 : vector<256x2048xf32>
    %jit3A_187 = arith.constant 1073741824 : i32
    %broadcast_in_dim3A_188 = vector.broadcast %jit3A_187 : i32 to vector<256x2048xi32>
    %select_n3A_189 = arith.select %eq3A_186, %iota3A, %broadcast_in_dim3A_188 : vector<256x2048xi1>, vector<256x2048xi32>
    %reduce_min3A_190 = arith.constant dense<2147483647> : vector<256xi32>
    %reduce_min3A_191 = vector.multi_reduction <minsi>, %select_n3A_189, %reduce_min3A_190 [1] : vector<256x2048xi32> to vector<256xi32>
    %broadcast_in_dim3A_192 = vector.shape_cast %reduce_min3A_191 : vector<256xi32> to vector<256x1xi32>
    %mul3A_193 = arith.constant 2048 : i32
    %mul3A_194 = arith.muli %arg1, %mul3A_193 : i32
    %add3A_195 = vector.broadcast %mul3A_194 : i32 to vector<256x1xi32>
    %add3A_196 = arith.addi %add3A_195, %broadcast_in_dim3A_192 : vector<256x1xi32>
    %slice3A_197 = vector.extract_strided_slice %concatenate3A_179 {offsets = [0, 0], sizes = [256, 4], strides = [1, 1]} : vector<256x8xf32> to vector<256x4xf32>
    %concatenate3A_198 = tpu.concatenate %broadcast_in_dim3A_184, %slice3A_197 in 1 : vector<256x1xf32>, vector<256x4xf32> -> vector<256x5xf32>
    %slice3A_199 = vector.extract_strided_slice %concatenate3A_181 {offsets = [0, 0], sizes = [256, 4], strides = [1, 1]} : vector<256x8xi32> to vector<256x4xi32>
    %concatenate3A_200 = tpu.concatenate %add3A_196, %slice3A_199 in 1 : vector<256x1xi32>, vector<256x4xi32> -> vector<256x5xi32>
    %min3A_201 = vector.broadcast %broadcast_in_dim3A_184 : vector<256x1xf32> to vector<256x5xf32>
    %min3A_202 = arith.minimumf %concatenate3A_198, %min3A_201 : vector<256x5xf32>
    %le3A_203 = vector.broadcast %broadcast_in_dim3A_184 : vector<256x1xf32> to vector<256x5xf32>
    %le3A_204 = arith.cmpf ole, %le3A_203, %concatenate3A_198 : vector<256x5xf32>
    %broadcast_in_dim3A_205 = vector.shape_cast %add3A_196 : vector<256x1xi32> to vector<256x1xi32>
    %broadcast_in_dim3A_206 = vector.broadcast %broadcast_in_dim3A_205 : vector<256x1xi32> to vector<256x5xi32>
    %select_n3A_207 = arith.select %le3A_204, %broadcast_in_dim3A_206, %concatenate3A_200 : vector<256x5xi1>, vector<256x5xi32>
    %slice3A_208 = vector.extract_strided_slice %concatenate3A_179 {offsets = [0, 0], sizes = [256, 5], strides = [1, 1]} : vector<256x8xf32> to vector<256x5xf32>
    %gt3A_209 = arith.cmpf ogt, %min3A_202, %slice3A_208 : vector<256x5xf32>
    %slice3A_210 = vector.extract_strided_slice %concatenate3A_179 {offsets = [0, 0], sizes = [256, 5], strides = [1, 1]} : vector<256x8xf32> to vector<256x5xf32>
    %select_n3A_211 = arith.select %gt3A_209, %min3A_202, %slice3A_210 : vector<256x5xi1>, vector<256x5xf32>
    %slice3A_212 = vector.extract_strided_slice %concatenate3A_181 {offsets = [0, 0], sizes = [256, 5], strides = [1, 1]} : vector<256x8xi32> to vector<256x5xi32>
    %select_n3A_213 = arith.select %gt3A_209, %select_n3A_207, %slice3A_212 : vector<256x5xi1>, vector<256x5xi32>
    %slice3A_214 = vector.extract_strided_slice %concatenate3A_179 {offsets = [0, 5], sizes = [256, 3], strides = [1, 1]} : vector<256x8xf32> to vector<256x3xf32>
    %concatenate3A_215 = tpu.concatenate %select_n3A_211, %slice3A_214 in 1 : vector<256x5xf32>, vector<256x3xf32> -> vector<256x8xf32>
    %slice3A_216 = vector.extract_strided_slice %concatenate3A_181 {offsets = [0, 5], sizes = [256, 3], strides = [1, 1]} : vector<256x8xi32> to vector<256x3xi32>
    %concatenate3A_217 = tpu.concatenate %select_n3A_213, %slice3A_216 in 1 : vector<256x5xi32>, vector<256x3xi32> -> vector<256x8xi32>
    %swap3A = arith.constant 0 : index
    %swap3A_218 = arith.constant 0 : index
    %swap3A_219 = vector.load %arg6[%swap3A, %swap3A_218] : memref<256x8xf32, #tpu.memory_space<vmem>>, vector<256x8xf32>
    tpu.vector_store %arg6[%swap3A, %swap3A_218], %concatenate3A_215 {strides = array<i32>} : memref<256x8xf32, #tpu.memory_space<vmem>>, vector<256x8xf32>,
    %swap3A_220 = arith.constant 0 : index
    %swap3A_221 = arith.constant 0 : index
    %swap3A_222 = vector.load %arg7[%swap3A_220, %swap3A_221] : memref<256x8xi32, #tpu.memory_space<vmem>>, vector<256x8xi32>
    tpu.vector_store %arg7[%swap3A_220, %swap3A_221], %concatenate3A_217 {strides = array<i32>} : memref<256x8xi32, #tpu.memory_space<vmem>>, vector<256x8xi32>,
    %eq3A_223 = arith.constant 48 : i32
    %eq3A_224 = arith.cmpi eq, %arg1, %eq3A_223 : i32
    %convert_element_type3A_225 = arith.extui %eq3A_224 : i1 to i32
    %cond3A_226 = arith.constant 0 : i32
    %cond3A_227 = arith.cmpi ne, %convert_element_type3A_225, %cond3A_226 : i32
    scf.if %cond3A_227 {
      %slice3A_228 = vector.extract_strided_slice %concatenate3A_215 {offsets = [0, 0], sizes = [256, 5], strides = [1, 1]} : vector<256x8xf32> to vector<256x5xf32>
      %slice3A_229 = vector.extract_strided_slice %concatenate3A_215 {offsets = [0, 0], sizes = [256, 1], strides = [1, 1]} : vector<256x8xf32> to vector<256x1xf32>
      %sub3A = vector.broadcast %slice3A_229 : vector<256x1xf32> to vector<256x5xf32>
      %sub3A_230 = arith.subf %slice3A_228, %sub3A : vector<256x5xf32>
      %exp3A = math.exp %sub3A_230 : vector<256x5xf32>
      %reduce_sum3A_231 = arith.constant dense<0.000000e+00> : vector<256xf32>
      %reduce_sum3A_232 = vector.multi_reduction <add>, %exp3A, %reduce_sum3A_231 [1] : vector<256x5xf32> to vector<256xf32>
      %broadcast_in_dim3A_233 = vector.shape_cast %reduce_sum3A_232 : vector<256xf32> to vector<256x1xf32>
      %div3A = vector.broadcast %broadcast_in_dim3A_233 : vector<256x1xf32> to vector<256x5xf32>
      %div3A_234 = arith.divf %exp3A, %div3A : vector<256x5xf32>
      %broadcast_in_dim3A_235 = arith.constant 0.000000e+00 : f32
      %broadcast_in_dim3A_236 = vector.broadcast %broadcast_in_dim3A_235 : f32 to vector<256x3xf32>
      %concatenate3A_237 = tpu.concatenate %div3A_234, %broadcast_in_dim3A_236 in 1 : vector<256x5xf32>, vector<256x3xf32> -> vector<256x8xf32>
      %swap3A_238 = arith.constant 0 : index
      %swap3A_239 = arith.constant 0 : index
      %swap3A_240 = vector.load %arg4[%swap3A_238, %swap3A_239] : memref<256x8xf32, #tpu.memory_space<vmem>>, vector<256x8xf32>
      tpu.vector_store %arg4[%swap3A_238, %swap3A_239], %concatenate3A_237 {strides = array<i32>} : memref<256x8xf32, #tpu.memory_space<vmem>>, vector<256x8xf32>,
      %swap3A_241 = arith.constant 0 : index
      %swap3A_242 = arith.constant 0 : index
      %swap3A_243 = vector.load %arg5[%swap3A_241, %swap3A_242] : memref<256x8xi32, #tpu.memory_space<vmem>>, vector<256x8xi32>
      tpu.vector_store %arg5[%swap3A_241, %swap3A_242], %concatenate3A_217 {strides = array<i32>} : memref<256x8xi32, #tpu.memory_space<vmem>>, vector<256x8xi32>,
    } else {
    }
    return
  }
  func.func @transform_0(%arg0: i32, %arg1: i32) -> (i32, i32) {
    %c0_i32 = arith.constant 0 : i32
    %c0_i32_0 = arith.constant 0 : i32
    return %arg0, %c0_i32 : i32, i32
  }
  func.func @transform_1(%arg0: i32, %arg1: i32) -> (i32, i32) {
    %c0_i32 = arith.constant 0 : i32
    %c0_i32_0 = arith.constant 0 : i32
    return %arg1, %c0_i32 : i32, i32
  }
  func.func @transform_2(%arg0: i32, %arg1: i32) -> (i32, i32) {
    %c0_i32 = arith.constant 0 : i32
    %c0_i32_0 = arith.constant 0 : i32
    return %arg0, %c0_i32 : i32, i32
  }
  func.func @transform_3(%arg0: i32, %arg1: i32) -> (i32, i32) {
    %c0_i32 = arith.constant 0 : i32
    %c0_i32_0 = arith.constant 0 : i32
    return %arg0, %c0_i32 : i32, i32
  }
}

module attributes {stable_mosaic.version = 14 : i64} {
  func.func @_fuse_body(%arg0: i32, %arg1: memref<256x5x144xf32, #tpu.memory_space<vmem>>, %arg2: memref<256x8xf32, #tpu.memory_space<vmem>>, %arg3: memref<256x144xf32, #tpu.memory_space<vmem>>, %arg4: memref<256x144xf32, #tpu.memory_space<vmem>>) attributes {dimension_semantics = [#tpu.dimension_semantics<arbitrary>], iteration_bounds = array<i64: 4>, scalar_prefetch = 0 : i64, scratch_operands = 0 : i64, tpu.core_type = #tpu.core_type<tc>, window_params = [{transform_indices = @transform_0, window_bounds = array<i64: 256, 5, 144>}, {transform_indices = @transform_1, window_bounds = array<i64: 256, 8>}, {transform_indices = @transform_2, window_bounds = array<i64: 256, 144>}, {transform_indices = @transform_3, window_bounds = array<i64: 256, 144>}]} {
    %get3A = arith.constant 0 : index
    %get3A_0 = arith.constant 0 : index
    %get3A_1 = vector.load %arg2[%get3A, %get3A_0] : memref<256x8xf32, #tpu.memory_space<vmem>>, vector<256x1xf32>
    %get3A_2 = arith.constant 0 : index
    %get3A_3 = arith.constant 0 : index
    %get3A_4 = arith.constant 0 : index
    %get3A_5 = vector.load %arg1[%get3A_2, %get3A_3, %get3A_4] : memref<256x5x144xf32, #tpu.memory_space<vmem>>, vector<256x1x144xf32>
    %get3A_6 = vector.shape_cast %get3A_5 : vector<256x1x144xf32> to vector<256x144xf32>
    %mul3A = vector.broadcast %get3A_1 : vector<256x1xf32> to vector<256x144xf32>
    %mul3A_7 = arith.mulf %mul3A, %get3A_6 : vector<256x144xf32>
    %get3A_8 = arith.constant 0 : index
    %get3A_9 = arith.constant 1 : index
    %get3A_10 = vector.load %arg2[%get3A_8, %get3A_9] : memref<256x8xf32, #tpu.memory_space<vmem>>, vector<256x1xf32>
    %get3A_11 = arith.constant 0 : index
    %get3A_12 = arith.constant 1 : index
    %get3A_13 = arith.constant 0 : index
    %get3A_14 = vector.load %arg1[%get3A_11, %get3A_12, %get3A_13] : memref<256x5x144xf32, #tpu.memory_space<vmem>>, vector<256x1x144xf32>
    %get3A_15 = vector.shape_cast %get3A_14 : vector<256x1x144xf32> to vector<256x144xf32>
    %mul3A_16 = vector.broadcast %get3A_10 : vector<256x1xf32> to vector<256x144xf32>
    %mul3A_17 = arith.mulf %mul3A_16, %get3A_15 : vector<256x144xf32>
    %add3A = arith.addf %mul3A_7, %mul3A_17 : vector<256x144xf32>
    %get3A_18 = arith.constant 0 : index
    %get3A_19 = arith.constant 2 : index
    %get3A_20 = vector.load %arg2[%get3A_18, %get3A_19] : memref<256x8xf32, #tpu.memory_space<vmem>>, vector<256x1xf32>
    %get3A_21 = arith.constant 0 : index
    %get3A_22 = arith.constant 2 : index
    %get3A_23 = arith.constant 0 : index
    %get3A_24 = vector.load %arg1[%get3A_21, %get3A_22, %get3A_23] : memref<256x5x144xf32, #tpu.memory_space<vmem>>, vector<256x1x144xf32>
    %get3A_25 = vector.shape_cast %get3A_24 : vector<256x1x144xf32> to vector<256x144xf32>
    %mul3A_26 = vector.broadcast %get3A_20 : vector<256x1xf32> to vector<256x144xf32>
    %mul3A_27 = arith.mulf %mul3A_26, %get3A_25 : vector<256x144xf32>
    %add3A_28 = arith.addf %add3A, %mul3A_27 : vector<256x144xf32>
    %get3A_29 = arith.constant 0 : index
    %get3A_30 = arith.constant 3 : index
    %get3A_31 = vector.load %arg2[%get3A_29, %get3A_30] : memref<256x8xf32, #tpu.memory_space<vmem>>, vector<256x1xf32>
    %get3A_32 = arith.constant 0 : index
    %get3A_33 = arith.constant 3 : index
    %get3A_34 = arith.constant 0 : index
    %get3A_35 = vector.load %arg1[%get3A_32, %get3A_33, %get3A_34] : memref<256x5x144xf32, #tpu.memory_space<vmem>>, vector<256x1x144xf32>
    %get3A_36 = vector.shape_cast %get3A_35 : vector<256x1x144xf32> to vector<256x144xf32>
    %mul3A_37 = vector.broadcast %get3A_31 : vector<256x1xf32> to vector<256x144xf32>
    %mul3A_38 = arith.mulf %mul3A_37, %get3A_36 : vector<256x144xf32>
    %add3A_39 = arith.addf %add3A_28, %mul3A_38 : vector<256x144xf32>
    %get3A_40 = arith.constant 0 : index
    %get3A_41 = arith.constant 4 : index
    %get3A_42 = vector.load %arg2[%get3A_40, %get3A_41] : memref<256x8xf32, #tpu.memory_space<vmem>>, vector<256x1xf32>
    %get3A_43 = arith.constant 0 : index
    %get3A_44 = arith.constant 4 : index
    %get3A_45 = arith.constant 0 : index
    %get3A_46 = vector.load %arg1[%get3A_43, %get3A_44, %get3A_45] : memref<256x5x144xf32, #tpu.memory_space<vmem>>, vector<256x1x144xf32>
    %get3A_47 = vector.shape_cast %get3A_46 : vector<256x1x144xf32> to vector<256x144xf32>
    %mul3A_48 = vector.broadcast %get3A_42 : vector<256x1xf32> to vector<256x144xf32>
    %mul3A_49 = arith.mulf %mul3A_48, %get3A_47 : vector<256x144xf32>
    %add3A_50 = arith.addf %add3A_39, %mul3A_49 : vector<256x144xf32>
    %get3A_51 = arith.constant 0 : index
    %get3A_52 = arith.constant 0 : index
    %get3A_53 = vector.load %arg3[%get3A_51, %get3A_52] : memref<256x144xf32, #tpu.memory_space<vmem>>, vector<256x144xf32>
    %add3A_54 = arith.addf %get3A_53, %add3A_50 : vector<256x144xf32>
    %swap3A = arith.constant 0 : index
    %swap3A_55 = arith.constant 0 : index
    %swap3A_56 = vector.load %arg4[%swap3A, %swap3A_55] : memref<256x144xf32, #tpu.memory_space<vmem>>, vector<256x144xf32>
    tpu.vector_store %arg4[%swap3A, %swap3A_55], %add3A_54 {strides = array<i32>} : memref<256x144xf32, #tpu.memory_space<vmem>>, vector<256x144xf32>,
    return
  }
  func.func @transform_0(%arg0: i32) -> (i32, i32, i32) {
    %c0_i32 = arith.constant 0 : i32
    %c0_i32_0 = arith.constant 0 : i32
    %c0_i32_1 = arith.constant 0 : i32
    return %arg0, %c0_i32, %c0_i32_0 : i32, i32, i32
  }
  func.func @transform_1(%arg0: i32) -> (i32, i32) {
    %c0_i32 = arith.constant 0 : i32
    %c0_i32_0 = arith.constant 0 : i32
    return %arg0, %c0_i32 : i32, i32
  }
  func.func @transform_2(%arg0: i32) -> (i32, i32) {
    %c0_i32 = arith.constant 0 : i32
    %c0_i32_0 = arith.constant 0 : i32
    return %arg0, %c0_i32 : i32, i32
  }
  func.func @transform_3(%arg0: i32) -> (i32, i32) {
    %c0_i32 = arith.constant 0 : i32
    %c0_i32_0 = arith.constant 0 : i32
    return %arg0, %c0_i32 : i32, i32
  }
}

</mosaic_0001>

<sc_bundles>
// kernel: kernel.5.cloned.1.call-start
scs
__scs_entry_jumppad:
0x0: {  	(pc) =	sbr.rel $0x88, $3  }
0x1: {  	(tag) =	ssettag $0x0;
	lr =	simm.s32 $0x1  }
0x2: {  	[smem:$0x3F86] =	sst lr;
	_ =	strace $0xD0000000  }
0x3: {  	_ = 	snop  }
0x4: {  	_ = 	snop  }
0x5: {  	_ = 	snop  }
0x6: {  	_ = 	snop  }
0x7: {  	_ = 	snop  }
__scs_overlays_trampoline_lowered:
0x8: {  	[smem:$0x3F95] =	sst s0  }
0x9: {  	[smem:$0x3F96] =	sst s1  }
0xa: {  	[smem:$0x3F97] =	sst s2  }
0xb: {  	[smem:$0x3F98] =	sst s3  }
0xc: {  	[smem:$0x3F99] =	sst s4  }
0xd: {  	[smem:$0x3F9A] =	sst s5  }
0xe: {  	[smem:$0x3F9B] =	sst s6  }
0xf: {  	[smem:$0x3F9C] =	sst s7  }
0x10: {  	[smem:$0x3F9D] =	sst s8  }
0x11: {  	[smem:$0x3F9E] =	sst s9;
	s0 =	simm.s32 @!p0 $0x0  }
0x12: {  	s1 =	sld [smem:$0x3F84];
	s0 =	simm.s32 @p0 $0x1  }
0x13: {  	[smem:$0x3F9F] =	sst s0;
	s0 =	simm.s32 @!p1 $0x0  }
0x14: {  	s2 =	sld [smem:$0x3F83];
	s0 =	simm.s32 @p1 $0x1  }
0x15: {  	[smem:$0x3FA0] =	sst s0;
	s0 =	simm.s32 @!p2 $0x0  }
0x16: {  	s3 =	sld [smem:$0x3FDB];
	s0 =	simm.s32 @p2 $0x1  }
0x17: {  	s4 =	simm.s32 $0x1BF5;
	[smem:$0x3FA2] =	sst s0  }
0x18: {  	s0 =	sld [smem:$0x3F85];
	_ =	swait.ge [sflag:s4], $0x0  }
0x19: {  	s7 =	sld [smem:$0x3F86]  }
0x1a: {  	s8 =	sadd.s32 $0xFFFFE003, lr  }
0x1b: {  	s9 =	sadd.s32 $0xFFFFFEF7, lr;
	s5 =	simm.s32 $0xFFFFFFFF;
	p2 =	slt.u32 s8, $0xFFFFF086  }
0x1c: {  	p1 =	slt.u32 s9, $0xF7A;
	s5 =	simm.s32 @!p2 $0x0  }
0x1d: {  	s5 =	simm.s32 @p1 $0x1;
	p0 =	seq.s32 s7, s2  }
0x1e: {  	s7 =	smul.u32 @!p0 $0xF7A, s2;
	p2 =	seq.s32 @!p0 s5, $0x0  }
0x1f: {  	s9 =	smul.u32 $0xF7A, s1;
	s8 =	simm.s32 @!p0 $0x1BF5;
	p2 =	por !p2, p0  }
0x20: {  	[sflag:s8] =	ssyncset.s32 @!p0 $0xFFFFF086;
	s6 =	sadd.s32 @!p0 s3, s7;
	s7 =	simm.s32 @!p0 $0x108  }
0x21: {  	s3 =	sadd.s32 s3, s9;
	s6 =	sadd.s32 @!p0 $0x88, s6;
	s7 =	simm.s32 @p2 $0x1082  }
0x22: {  	[simem:s7], [sflag:s8] =	dma.local @!p0 [hbm:s6], $0xF7A  }
0x23: {  	s9 =	sor.u32 $0xD0000000, s2;
	s6 =	simm.s32 $0x108;
	_ =	swait.ge @!p0 [sflag:s8], $0x0  }
0x24: {  	s3 =	sadd.s32 $0x88, s3;
	s6 =	simm.s32 @!p1 $0x1082;
	[sflag:s4] =	ssyncset.s32 $0xFFFFF086  }
0x25: {  	[simem:s6], [sflag:s4] =	dma.local [hbm:s3], $0xF7A  }
0x26: {  	[smem:$0x3F86] =	sst s1;
	(tag) =	ssettag s2;
	_ =	strace s9  }
0x27: {  	s1 =	sld [smem:$0x3F96]  }
0x28: {  	s2 =	sld [smem:$0x3F97]  }
0x29: {  	s4 =	sld [smem:$0x3F99]  }
0x2a: {  	p0 =	seq.s32 s5, $0x0;
	s5 =	sld [smem:$0x3F9A]  }
0x2b: {  	s6 =	sld [smem:$0x3F9B]  }
0x2c: {  	s7 =	sld [smem:$0x3F9C]  }
0x2d: {  	s3 =	simm.s32 $0x108;
	s8 =	sld [smem:$0x3F9D]  }
0x2e: {  	s3 =	simm.s32 @!p0 $0x1082;
	s9 =	sld [smem:$0x3F9E]  }
0x2f: {  	lr =	sadd.s32 s0, s3;
	s0 =	sld [smem:$0x3F95]  }
0x30: {  	s3 =	sld [smem:$0x3F98]  }
0x31: {  	[smem:$0x3FA1] =	sst s10  }
0x32: {  	s10 =	sld [smem:$0x3F9F];
	_ =	sdelay $0x3  }
0x33: {  	p0 =	seq.s32 s10, $0x1;
	s10 =	sld [smem:$0x3FA1];
	_ =	sdelay $0x3  }
0x34: {  	[smem:$0x3FA1] =	sst s10  }
0x35: {  	s10 =	sld [smem:$0x3FA0];
	_ =	sdelay $0x3  }
0x36: {  	p1 =	seq.s32 s10, $0x1;
	s10 =	sld [smem:$0x3FA1];
	_ =	sdelay $0x3  }
0x37: {  	[smem:$0x3FA1] =	sst s10  }
0x38: {  	s10 =	sld [smem:$0x3FA2]  }
0x39: {  	_ = 	snop;
	(pc) =	sbr.ind lr, $3  }
0x3a: {  	_ = 	snop  }
0x3b: {  	_ = 	snop  }
0x3c: {  	p2 =	seq.s32 s10, $0x1;
	s10 =	sld [smem:$0x3FA1]  }
0x3d: {  	_ =	shalt  }
0x3e: {  	_ =	shalt  }
0x3f: {  	_ =	shalt  }
0x40: {  	_ =	shalt  }
0x41: {  	_ =	shalt  }
0x42: {  	_ =	shalt  }
0x43: {  	_ =	shalt  }
0x44: {  	_ =	shalt  }
0x45: {  	_ =	shalt  }
0x46: {  	_ =	shalt  }
0x47: {  	_ =	shalt  }
0x48: {  	_ =	shalt  }
0x49: {  	_ =	shalt  }
0x4a: {  	_ =	shalt  }
0x4b: {  	_ =	shalt  }
0x4c: {  	_ =	shalt  }
0x4d: {  	_ =	shalt  }
0x4e: {  	_ =	shalt  }
0x4f: {  	_ =	shalt  }
0x50: {  	_ =	shalt  }
0x51: {  	_ =	shalt  }
0x52: {  	_ =	shalt  }
0x53: {  	_ =	shalt  }
0x54: {  	_ =	shalt  }
0x55: {  	_ =	shalt  }
0x56: {  	_ =	shalt  }
0x57: {  	_ =	shalt  }
0x58: {  	_ =	shalt  }
0x59: {  	_ =	shalt  }
0x5a: {  	_ =	shalt  }
0x5b: {  	_ =	shalt  }
0x5c: {  	_ =	shalt  }
0x5d: {  	_ =	shalt  }
0x5e: {  	_ =	shalt  }
0x5f: {  	_ =	shalt  }
0x60: {  	_ =	shalt  }
0x61: {  	_ =	shalt  }
0x62: {  	_ =	shalt  }
0x63: {  	_ =	shalt  }
0x64: {  	_ =	shalt  }
0x65: {  	_ =	shalt  }
0x66: {  	_ =	shalt  }
0x67: {  	_ =	shalt  }
0x68: {  	_ =	shalt  }
0x69: {  	_ =	shalt  }
0x6a: {  	_ =	shalt  }
0x6b: {  	_ =	shalt  }
0x6c: {  	_ =	shalt  }
0x6d: {  	_ =	shalt  }
0x6e: {  	_ =	shalt  }
0x6f: {  	_ =	shalt  }
0x70: {  	_ =	shalt  }
0x71: {  	_ =	shalt  }
0x72: {  	_ =	shalt  }
0x73: {  	_ =	shalt  }
0x74: {  	_ =	shalt  }
0x75: {  	_ =	shalt  }
0x76: {  	_ =	shalt  }
0x77: {  	_ =	shalt  }
0x78: {  	_ =	shalt  }
0x79: {  	_ =	shalt  }
0x7a: {  	_ =	shalt  }
0x7b: {  	_ =	shalt  }
0x7c: {  	_ =	shalt  }
0x7d: {  	_ =	shalt  }
0x7e: {  	_ =	shalt  }
0x7f: {  	_ =	shalt  }
0x80: {  	_ =	shalt  }
0x81: {  	_ =	shalt  }
0x82: {  	_ =	shalt  }
0x83: {  	_ =	shalt  }
0x84: {  	_ =	shalt  }
0x85: {  	_ =	shalt  }
0x86: {  	_ =	shalt  }
0x87: {  	_ =	shalt  }
.Lfunc_end0:
.L_simem_size_0:
called_computation.1_lowered:
.L_overlay_start_0:
0x88: {  	s2 =	sld [smem:$0x3FD9]  }
0x89: {  	s3 =	sld [smem:$0x3FFE];
	_ =	sdelay $0x1  }
0x8a: {  	s1 =	srdreg.scid  }
0x8b: {  	s0 =	sand.u32 $0x1, s1  }
0x8c: {  	s16 =	sshll.u32 s0, $0xA;
	s2 =	sadd.s32 s3, s2  }
0x8d: {  	s2 =	sadd.s32 s2, s16  }
0x8e: {  	[smem:$0x3FAD] =	sst s2  }
0x8f: {  	_ = 	snop  }
0x90: {  	(tm) =	ssettm $0x1  }
0x91: {  	s17 =	sld [smem:$0x3FFB];
	_ =	sdelay $0x3  }
0x92: {  	_ =	strace s17  }
0x93: {  	s2 =	sld [smem:$0x3FFC];
	_ =	sdelay $0x3  }
0x94: {  	_ =	strace s2  }
0x95: {  	s2 =	sld [smem:$0x3FFD];
	_ =	sdelay $0x3  }
0x96: {  	_ =	strace s2  }
0x97: {  	_ =	strace $0x8FFFFFFF  }
0x98: {  	s18 =	sld [smem:$0x3FDB];
	_ =	sdelay $0x1  }
0x99: {  	s19 =	simm.s32 $_scs_section_size  }
0x9a: {  	s4 =	simm.s32 $_size__tile_overlayer_lowered;
	s5 =	simm.s32 $_tile_overlayer_lowered  }
0x9b: {  	s22 =	simm.s32 $0x1BFF;
	s21 =	sshll.u32 s5, $0x1;
	s2 =	sadd.s32 s19, s18  }
0x9c: {  	s6 =	simm.s32 $0x0;
	s20 =	sshll.u32 s4, $0x1;
	s4 =	sadd.s32 s21, s2  }
0x9d: {  	[timem:s6], [sflag:s22] =	dma.local [hbm:s4], s20  }
0x9e: {  	_ =	swait.ge [sflag:s22], s20  }
0x9f: {  	s3 =	ssub.s32 $0x0, s20;
	[sflag:s22] =	ssyncset.done $0x0  }
0xa0: {  	[sflag:s22] =	ssyncadd.s32 s3;
	_ =	sdelay $0x1  }
0xa1: {  	s23 =	simm.s32 $0x1B8B  }
0xa2: {  	_ =	swait.ge [sflag:s23], $0x1  }
0xa3: {  	[sflag:s23] =	ssyncset.done $0x0  }
0xa4: {  	s25 =	simm.s32 $0x1B8E;
	s24 =	sld [smem:$0x3FFE];
	[sflag:s23] =	ssyncadd.s32 $0xFFFFFFFF  }
0xa5: {  	s26 =	simm.s32 $execute0_lowered;
	[smem:$0x3FD2] =	sst s25  }
0xa6: {  	s4 =	sshll.u32 s26, $0x1;
	_ =	strace $0x80000049;
	[dreg:$0x1] =	wrdreg $0xFFFFFFFF  }
0xa7: {  	s28 =	simm.s32 $_size_execute0_lowered;
	s2 =	sadd.s32 s2, s4;
	[dreg:$0x0] =	wrdreg $0x0  }
0xa8: {  	s4 =	sshll.u32 s28, $0x1;
	[dreg:$0x2] =	wrdreg s2  }
0xa9: {  	[dreg:$0x3] =	wrdreg s4  }
0xaa: {  	[dreg:$0x4] =	wrdreg $0xC0  }
0xab: {  	_ =	task [dreg:s6], $0x5FFFF  }
0xac: {  	[dreg:$0x1] =	wrdreg $0xFFFFFFFF  }
0xad: {  	[dreg:$0x0] =	wrdreg $0x60  }
0xae: {  	[dreg:$0x2] =	wrdreg s24  }
0xaf: {  	[dreg:$0x3] =	wrdreg $0x9  }
0xb0: {  	_ =	task.clear_ibuf [dreg:s6], $0x4FFFF;
	_ =	strace $0x90000049  }
0xb1: {  	s29 =	simm.s32 $0x9;
	_ =	strace $0x8000004B  }
0xb2: {  	_ =	swait.ge [sflag:s29], $0x1  }
0xb3: {  	[sflag:s29] =	ssyncadd.s32 $0xFFFFFFFF  }
0xb4: {  	_ =	strace $0x9000004B  }
0xb5: {  	_ =	sfence  }
0xb6: {  	s30 =	sld [smem:$0x0];
	_ =	sdelay $0x2  }
0xb7: {  	s31 =	sshll.u32 s1, $0xD;
	s1 =	sshrl.u32 s1, $0x2  }
0xb8: {  	s3 =	sand.u32 $0x4000, s31;
	s1 =	sadd.s32 s1, s30  }
0xb9: {  	s0 =	sor.u32 s3, s0;
	s1 =	sshll.u32 s1, $0x11  }
0xba: {  	s0 =	sor.u32 s1, s0  }
0xbb: {  	s0 =	sadd.s32 $0x8F2B, s0  }
0xbc: {  	[sflag:s0] =	ssyncadd.remote.s32 $0x1  }
0xbd: {  	_ =	sfence.sel $0xFFFF  }
0xbe: {  	[dreg:$0x0] =	wrdreg $0xFFFFFFFF;
	(pc) =	sbr.abs _section_cstart, $3  }
0xbf: {  	[dreg:$0x1] =	wrdreg $0xFFFFFFFF  }
0xc0: {  	_ =	task.clear_ibuf [dreg:s6], $0x2FFFF;
	_ =	strace $0x9FFFFFFF  }
0xc1: {  	(tm) =	ssettm $0x7FFFFFFF  }
tec
execute0_lowered:
.L_overlay_start_1:
0x0: {  	(tag) =	ssettag $0x1  }
0x1: {  	s1 =	srdreg.scid;
	s0 =	stileid.u32  }
0x2: {  	s10 =	sand.u32 $0x1, s1;
	s3 =	sshll.u32 s0, $0x1  }
0x3: {  	s11 =	rddreg [dreg:$0x0];
	s12 =	sor.u32 s10, s3  }
0x4: {  	s2 =	simm.s32 $0x0;
	s1 =	rddreg [dreg:$0x1];
	s3 =	smul.u32 $0x14, s12  }
0x5: {  	s4 =	simm.s32 $0x2;
	[smem:$0x7FF] =	sst s2;
	s5 =	sadd.s32 $0x5C00, s11  }
0x6: {  	_ =	strace $0x8000004A;
	s6 =	smul.u32 $0xA0, s12;
	s3 =	sadd.s32 s5, s3  }
0x7: {  	[tilespmem:s2], [sflag:$0x2] =	stream.linear.gather [hbm4b:s3+s2], $0x50, $0x38;
	[tilespmem:$0x5AA0] =	vst v63  }
0x8: {  	s6 =	sshrl.u32 s6, $0x3;
	_ =	swait.ge [sflag:s4], $0x50  }
0x9: {  	s5 =	sadd.s32 s5, s6;
	[sflag:s4] =	ssyncset.done $0x0  }
0xa: {  	s6 =	simm.s32 $0x50;
	s5 =	sadd.s32 $0xA, s5;
	[sflag:s4] =	ssyncadd.s32 $0xFFFFFFB0  }
0xb: {  	[tilespmem:s6], [sflag:$0x2] =	stream.linear.gather [hbm4b:s5+s2], $0x50, $0x38;
	[tilespmem:$0x5AA0] =	vst v63  }
0xc: {  	_ =	swait.ge [sflag:s4], $0x50  }
0xd: {  	s8 =	simm.s32 $0xA0;
	s9 =	simm.s32 $0x1;
	[sflag:s4] =	ssyncset.done $0x0  }
0xe: {  	s7 =	sadd.s32 $0x6000, s11;
	s13 =	ssub.s32 $0x2, s10;
	[sflag:s4] =	ssyncadd.s32 $0xFFFFFFB0  }
0xf: {  	[tilespmem:s8], [sflag:$0x1] =	stream.indirect.gather [hbm4b:s7+s6], $0x90, s2, s6, $0xb8;
	[tilespmem:$0x5AA0] =	vst v63  }
0x10: {  	s12 =	smul.u32 $0xB40, s12;
	s14 =	sshrl.u32 s13, $0x1;
	_ =	swait.ge [sflag:s9], $0x2D00  }
0x11: {  	s10 =	simm.s32 $0x2DA0;
	s31 =	ssub.s32 s13, s14;
	[sflag:s9] =	ssyncset.done $0x0  }
0x12: {  	s11 =	sadd.s32 s12, s11;
	s12 =	smax.u32 s31, $0x1;
	[sflag:s9] =	ssyncadd.s32 $0xFFFFD300  }
0x13: {  	[tilespmem:s10], [sflag:$0x1] =	stream.indirect.gather [hbm4b:s7+s6], $0x90, s6, s6, $0xb8;
	[tilespmem:$0x5AA0] =	vst v63  }
0x14: {  	p0 =	sne.s32 s12, $0x1;
	_ =	swait.ge [sflag:s9], $0x2D00  }
.Ltmp0:
0x15: {  	[sflag:s9] =	ssyncset.done $0x0;
	(pc) =	sbr.rel @!p0 .LBB2_2-.Ltmp0, $4  }
0x16: {  	s11 =	sadd.s32 $0x1BD800, s11;
	[sflag:s9] =	ssyncadd.s32 $0xFFFFD300  }
0x17: {  	[hbm4b:s11+s2] =	stream.linear.scatter [tilespmem:s8], [sflag:$0x2], $0x5A00, $0x38;
	[tilespmem:$0x5AA0] =	vst v63  }
0x18: {  	_ =	swait.ge [sflag:s4], $0x5A00  }
0x19: {  	s12 =	sadd.s32 $0xFFFFFFFF, s12;
	[sflag:s4] =	ssyncset.done $0x0  }
.LBB2_1:
0x1a: {  	p0 =	sne.s32 s12, $0x1;
	s12 =	sadd.s32 $0xFFFFFFFF, s12;
	[sflag:s4] =	ssyncadd.s32 $0xFFFFA600  }
0x1b: {  	[tilespmem:s2], [sflag:$0x2] =	stream.linear.gather [hbm4b:s3+s2], $0x50, $0x38;
	[tilespmem:$0x5AA0] =	vst v63  }
0x1c: {  	_ =	swait.ge [sflag:s4], $0x50  }
0x1d: {  	[sflag:s4] =	ssyncset.done $0x0  }
0x1e: {  	[sflag:s4] =	ssyncadd.s32 $0xFFFFFFB0  }
0x1f: {  	[tilespmem:s6], [sflag:$0x2] =	stream.linear.gather [hbm4b:s5+s2], $0x50, $0x38;
	[tilespmem:$0x5AA0] =	vst v63  }
0x20: {  	_ =	swait.ge [sflag:s4], $0x50  }
0x21: {  	[sflag:s4] =	ssyncset.done $0x0  }
0x22: {  	[sflag:s4] =	ssyncadd.s32 $0xFFFFFFB0  }
0x23: {  	[tilespmem:s8], [sflag:$0x1] =	stream.indirect.gather [hbm4b:s7+s6], $0x90, s2, s6, $0xb8;
	[tilespmem:$0x5AA0] =	vst v63  }
0x24: {  	_ =	swait.ge [sflag:s9], $0x2D00  }
0x25: {  	[sflag:s9] =	ssyncset.done $0x0  }
0x26: {  	[sflag:s9] =	ssyncadd.s32 $0xFFFFD300  }
0x27: {  	[tilespmem:s10], [sflag:$0x1] =	stream.indirect.gather [hbm4b:s7+s6], $0x90, s6, s6, $0xb8;
	[tilespmem:$0x5AA0] =	vst v63  }
0x28: {  	_ =	swait.ge [sflag:s9], $0x2D00  }
.Ltmp1:
0x29: {  	[sflag:s9] =	ssyncset.done $0x0;
	(pc) =	sbr.rel @p0 .LBB2_1-.Ltmp1, $4  }
0x2a: {  	[sflag:s9] =	ssyncadd.s32 $0xFFFFD300  }
0x2b: {  	[hbm4b:s11+s2] =	stream.linear.scatter [tilespmem:s8], [sflag:$0x2], $0x5A00, $0x38;
	[tilespmem:$0x5AA0] =	vst v63  }
0x2c: {  	_ =	swait.ge [sflag:s4], $0x5A00  }
0x2d: {  	[sflag:s4] =	ssyncset.done $0x0  }
.LBB2_2:
0x2e: {  	[sflag:s4] =	ssyncadd.s32 $0xFFFFA600  }
0x2f: {  	_ =	sfence.sel $0x180000  }
0x30: {  	[bflag:$0x0] =	sbarrier.arrive $0xFFFF  }
0x31: {  	p0 =	sne.s32 s0, $0x0;
	_ =	strace $0x9000004A  }
0x32: {  	s0 =	sadd.s32 @!p0 $0x100000, s1;
	[bflag:$0x2] =	sbarrier.arrive $0xFFFF  }
0x33: {  	[sflag:s0] =	ssyncadd.tile.s32 @!p0 $0x1;
	_ =	shalt  }
.Lfunc_end2:
_tile_overlayer_lowered:
.L_overlay_start_2:
0x34: {  	(tag) =	ssettag $0x2  }
0x35: {  	s0 =	rddreg [dreg:$0x0];
	s2 =	stileid.u32  }
0x36: {  	s1 =	rddreg [dreg:$0x1];
	p0 =	sne.s32 s2, $0x0  }
0x37: {  	s3 =	rddreg [dreg:$0x2];
	[bflag:$0x3] =	sbarrier.arrive $0xFFFF;
	s2 =	simm.s32 @!p0 $0x1C02  }
0x38: {  	[timem:s3], [sflag:s2] =	dma.local @!p0 [hbm:s0], s1  }
0x39: {  	s0 =	simm.s32 @!p0 $0x2  }
0x3a: {  	_ =	swait.ge @!p0 [sflag:s0], s1  }
0x3b: {  	s1 =	ssub.s32 @!p0 $0x0, s1;
	[sflag:s0] =	ssyncset.done @!p0 $0x0  }
0x3c: {  	[sflag:s0] =	ssyncadd.s32 @!p0 s1  }
0x3d: {  	[bflag:$0x3] =	sbarrier.arrive $0xFFFF  }
0x3e: {  	_ =	shalt  }

// kernel: sparse-core-data-format-call.cloned.1.call-start
scs
called_computation_lowered:
.L_overlay_start_0:
0x0: {  	s1 =	sld [smem:$0x3FD9]  }
0x1: {  	s2 =	sld [smem:$0x3FFE];
	_ =	sdelay $0x1  }
0x2: {  	s3 =	srdreg.scid  }
0x3: {  	s0 =	sand.u32 $0x1, s3  }
0x4: {  	s17 =	sshll.u32 s0, $0xA;
	s1 =	sadd.s32 s2, s1  }
0x5: {  	s1 =	sadd.s32 s1, s17  }
0x6: {  	[smem:$0x3FAD] =	sst s1  }
0x7: {  	_ = 	snop  }
0x8: {  	(tm) =	ssettm $0x1  }
0x9: {  	s18 =	sld [smem:$0x3FFB];
	_ =	sdelay $0x3  }
0xa: {  	_ =	strace s18  }
0xb: {  	s1 =	sld [smem:$0x3FFC];
	_ =	sdelay $0x3  }
0xc: {  	_ =	strace s1  }
0xd: {  	s1 =	sld [smem:$0x3FFD];
	_ =	sdelay $0x3  }
0xe: {  	_ =	strace s1  }
0xf: {  	_ =	strace $0x8FFFFFFF  }
0x10: {  	s19 =	sld [smem:$0x3FDB];
	_ =	sdelay $0x1  }
0x11: {  	s20 =	simm.s32 $_scs_section_size  }
0x12: {  	s4 =	simm.s32 $_size__tile_overlayer_lowered;
	s5 =	simm.s32 $_tile_overlayer_lowered  }
0x13: {  	s23 =	simm.s32 $0x1BFF;
	s22 =	sshll.u32 s5, $0x1;
	s1 =	sadd.s32 s20, s19  }
0x14: {  	s6 =	simm.s32 $0x0;
	s21 =	sshll.u32 s4, $0x1;
	s4 =	sadd.s32 s22, s1  }
0x15: {  	[timem:s6], [sflag:s23] =	dma.local [hbm:s4], s21  }
0x16: {  	_ =	swait.ge [sflag:s23], s21  }
0x17: {  	s2 =	ssub.s32 $0x0, s21;
	[sflag:s23] =	ssyncset.done $0x0  }
0x18: {  	[sflag:s23] =	ssyncadd.s32 s2;
	_ =	sdelay $0x1  }
0x19: {  	s24 =	simm.s32 $0x1B8B  }
0x1a: {  	_ =	swait.ge [sflag:s24], $0x1  }
0x1b: {  	[sflag:s24] =	ssyncset.done $0x0  }
0x1c: {  	s26 =	simm.s32 $0x1B8E;
	s25 =	sld [smem:$0x3FFE];
	[sflag:s24] =	ssyncadd.s32 $0xFFFFFFFF  }
0x1d: {  	s27 =	simm.s32 $execute0_lowered;
	[smem:$0x3FD2] =	sst s26  }
0x1e: {  	s4 =	sshll.u32 s27, $0x1;
	_ =	strace $0x80000046;
	[dreg:$0x1] =	wrdreg $0xFFFFFFFF  }
0x1f: {  	s28 =	simm.s32 $_size_execute0_lowered;
	s1 =	sadd.s32 s1, s4;
	[dreg:$0x0] =	wrdreg $0x0  }
0x20: {  	s4 =	sshll.u32 s28, $0x1;
	[dreg:$0x2] =	wrdreg s1  }
0x21: {  	[dreg:$0x3] =	wrdreg s4  }
0x22: {  	[dreg:$0x4] =	wrdreg $0xC0  }
0x23: {  	_ =	task [dreg:s6], $0x5FFFF  }
0x24: {  	[dreg:$0x1] =	wrdreg $0xFFFFFFFF  }
0x25: {  	[dreg:$0x0] =	wrdreg $0x60  }
0x26: {  	[dreg:$0x2] =	wrdreg s25  }
0x27: {  	[dreg:$0x3] =	wrdreg $0x9  }
0x28: {  	_ =	task.clear_ibuf [dreg:s6], $0x4FFFF;
	_ =	strace $0x90000046  }
0x29: {  	s29 =	simm.s32 $0x9;
	_ =	strace $0x80000048  }
0x2a: {  	_ =	swait.ge [sflag:s29], $0x1  }
0x2b: {  	[sflag:s29] =	ssyncadd.s32 $0xFFFFFFFF  }
0x2c: {  	_ =	strace $0x90000048  }
0x2d: {  	_ =	sfence  }
0x2e: {  	s30 =	sld [smem:$0x0];
	_ =	sdelay $0x2  }
0x2f: {  	s31 =	sshll.u32 s3, $0xD;
	s3 =	sshrl.u32 s3, $0x2  }
0x30: {  	s2 =	sand.u32 $0x4000, s31;
	s1 =	sadd.s32 s3, s30  }
0x31: {  	s0 =	sor.u32 s2, s0;
	s1 =	sshll.u32 s1, $0x11  }
0x32: {  	s0 =	sor.u32 s1, s0  }
0x33: {  	s0 =	sadd.s32 $0x8F2B, s0  }
0x34: {  	[sflag:s0] =	ssyncadd.remote.s32 $0x1  }
0x35: {  	_ =	sfence.sel $0xFFFF  }
0x36: {  	[dreg:$0x0] =	wrdreg $0xFFFFFFFF;
	(pc) =	sbr.abs _section_cstart, $3  }
0x37: {  	[dreg:$0x1] =	wrdreg $0xFFFFFFFF  }
0x38: {  	_ =	task.clear_ibuf [dreg:s6], $0x2FFFF;
	_ =	strace $0x9FFFFFFF  }
0x39: {  	(tm) =	ssettm $0x7FFFFFFF  }
tec
execute0_lowered:
.L_overlay_start_1:
0x0: {  	(tag) =	ssettag $0x1  }
0x1: {  	s0 =	rddreg [dreg:$0x0]  }
0x2: {  	s3 =	stileid.u32;
	s1 =	srdreg.scid;
	_ =	strace $0x80000047  }
0x3: {  	s30 =	simm.s32 $0x1;
	s31 =	simm.s32 $0x2;
	s10 =	simm.s32 $0x0  }
0x4: {  	s9 =	simm.s32 $0x0;
	s2 =	sshll.u32 s3, $0x6;
	s4 =	sadd.s32 $0x250400, s0  }
0x5: {  	s1 =	sshll.u32 s1, $0xA;
	s0 =	sadd.s32 $0x408200, s0;
	[dreg:$0x2] =	wrdreg s4  }
0x6: {  	s29 =	sshll.u32 s3, $0x7;
	s1 =	sor.u32 s2, s1;
	[dreg:$0x3] =	wrdreg s0  }
.Ltmp0:
0x7: {  	s13 =	sand.u32 $0x80, s29;
	s11 =	sand.u32 $0x780, s1;
	(pc) =	sbr.rel .LBB1_1-.Ltmp0, $4  }
0x8: {  	s8 =	simm.s32 $0x0;
	[dreg:$0x6] =	wrdreg s13;
	s1 =	ssub.s32 $0x18680, s11  }
0x9: {  	s12 =	simm.s32 $0x0;
	[dreg:$0x4] =	wrdreg s11;
	s1 =	sshrl.u32 s1, $0xB  }
0xa: {  	[sflag:s30] =	ssyncpa.u1 $0x0;
	[dreg:$0x5] =	wrdreg s1;
	s7 =	sadd.s32 $0x2, s1  }
0xb: {  	s14 =	simm.s32 $0x0;
	[sflag:s31] =	ssyncpa.u1 $0x0;
	[dreg:$0x7] =	wrdreg s7  }
.LBB1_12:
0xc: {  	s8 =	rddreg [dreg:$0x8]  }
0xd: {  	s5 =	rddreg [dreg:$0xc]  }
0xe: {  	s1 =	sshll.u32 s12, $0x3;
	s24 =	rddreg [dreg:$0xb]  }
0xf: {  	s4 =	smov.u32 s12;
	s27 =	sand.u32 $0x78, s12;
	s29 =	rddreg [dreg:$0x3]  }
0x10: {  	s28 =	sand.u32 $0x7, s12;
	s31 =	simm.s32 $0x800;
	s7 =	rddreg [dreg:$0x7]  }
0x11: {  	s9 =	rddreg [dreg:$0x9];
	s0 =	sshll.u32 s8, $0x8;
	s1 =	sand.u32 $0xFFFFFC00, s1  }
0x12: {  	s2 =	sshll.u32 s8, $0x7;
	p0 =	sgt.s32 s8, $0x18620;
	s0 =	sand.u32 $0xFFFFF800, s0  }
0x13: {  	s23 =	sand.u32 $0x300, s2;
	s0 =	sadd.s32 s1, s0;
	s1 =	smov.u32 s8  }
0x14: {  	s2 =	sand.u32 $0x80, s2;
	s0 =	sor.u32 s23, s0;
	s1 =	simm.s32 @!p0 $0x18620  }
0x15: {  	p0 =	sgt.s32 s12, $0x80;
	s0 =	sshrl.u32 s0, $0x8;
	s1 =	sadd.s32 s5, s1  }
0x16: {  	s4 =	simm.s32 @!p0 $0x80;
	s3 =	smulhi.u32 $0x14F8B59, s0;
	s25 =	sadd.s32 $0xFFFE79E0, s1  }
0x17: {  	s4 =	sadd.s32 s24, s4;
	s1 =	ssub.s32 $0x186A0, s1;
	p0 =	sgt.s32 s25, $0x7F  }
0x18: {  	s26 =	sadd.s32 $0xFFFFFF80, s4;
	s4 =	ssub.s32 $0x100, s4;
	s3 =	sshrl.u32 s3, $0x9  }
0x19: {  	s1 =	simm.s32 @p0 $0x0;
	p0 =	sgt.s32 s26, $0x7F;
	s3 =	smul.u32 $0x186A0, s3  }
0x1a: {  	s10 =	rddreg [dreg:$0xa];
	s2 =	sor.u32 s27, s2;
	s4 =	simm.s32 @p0 $0x0  }
0x1b: {  	s2 =	sshrl.u32 s2, $0x3;
	s1 =	smul.u32 s4, s1;
	s0 =	ssub.s32 s0, s3  }
0x1c: {  	s2 =	sadd.s32 s29, s2;
	s3 =	sshll.u32 s28, $0x12;
	s0 =	sshll.u32 s0, $0x5  }
0x1d: {  	s1 =	sand.u32 $0x3FFFFFFF, s1;
	s30 =	sor.u32 $0x400, s3;
	s0 =	sadd.s32 s0, s2  }
0x1e: {  	[hbm4b:s0+s30] =	stream.strided.scatter [tilespmem:s18], [sflag:$0x2], s1, s31, s30, $0x20;
	[tilespmem:$0x10100] =	vst v63  }
.LBB1_13:
0x1f: {  	p0 =	slt.u32 s14, $0x2  }
0x20: {  	s1 =	smov.u32 s10;
	s2 =	smov.u32 s9;
	p1 =	sgt.s32 @!p0 s10, $0x18620  }
0x21: {  	s0 =	sshra.s32 @!p0 s10, $0x1F;
	p2 =	sgt.s32 @!p0 s9, $0x80;
	s3 =	sshra.s32 @!p0 s9, $0x1F  }
0x22: {  	p1 =	por !p1, p0;
	s0 =	sand.u32 @!p0 s0, s10;
	p2 =	por !p2, p0  }
0x23: {  	s3 =	sand.u32 @!p0 s3, s9;
	s1 =	simm.s32 @p1 $0x18620;
	s2 =	simm.s32 @p2 $0x80  }
0x24: {  	s0 =	ssub.s32 @!p0 s1, s0;
	s1 =	ssub.s32 @!p0 s2, s3  }
0x25: {  	s2 =	sadd.s32 @!p0 $0xFFFE79E0, s0;
	s3 =	sadd.s32 @!p0 $0xFFFFFF80, s1  }
0x26: {  	s0 =	ssub.s32 @!p0 $0x186A0, s0;
	p1 =	sgt.s32 @!p0 s2, $0x7F;
	p2 =	sgt.s32 @!p0 s3, $0x7F  }
0x27: {  	s1 =	ssub.s32 @!p0 $0x100, s1;
	p1 =	por !p1, p0;
	p2 =	por !p2, p0  }
0x28: {  	s0 =	simm.s32 @!p1 $0x0;
	s1 =	simm.s32 @!p2 $0x0  }
0x29: {  	s0 =	smul.u32 @!p0 s1, s0  }
0x2a: {  	s4 =	smov.u32 s13  }
0x2b: {  	s2 =	simm.s32 @!p0 $0x2;
	s1 =	sadd.s32 $0x800, s11;
	s0 =	sand.u32 @!p0 $0x3FFFFFFF, s0  }
0x2c: {  	s3 =	sadd.s32 $0x100, s13;
	p1 =	sgt.s32 s1, $0x1869F;
	_ =	swait.ge @!p0 [sflag:s2], s0  }
0x2d: {  	s4 =	smov.u32 @p1 s3;
	s3 =	rddreg [dreg:$0x4]  }
0x2e: {  	s1 =	smov.u32 @p1 s3;
	p1 =	sgt.s32 s4, $0x8F;
	s3 =	rddreg [dreg:$0x6]  }
0x2f: {  	s4 =	smov.u32 @p1 s3;
	p1 =	sne.s32 s14, s7  }
.Ltmp1:
0x30: {  	_ = 	snop;
	(pc) =	sbr.rel @!p1 .LBB1_14-.Ltmp1, $4  }
0x31: {  	s10 =	smov.u32 s8  }
0x32: {  	s9 =	smov.u32 s12;
	s0 =	ssub.s32 @!p0 $0x0, s0;
	[sflag:s2] =	ssyncset.done @!p0 $0x0  }
0x33: {  	s8 =	smov.u32 s11;
	s12 =	smov.u32 s13;
	[sflag:s2] =	ssyncadd.s32 @!p0 s0  }
0x34: {  	s14 =	sadd.s32 $0x1, s14;
	s11 =	smov.u32 s1;
	s13 =	smov.u32 s4  }
.LBB1_1:
0x35: {  	s0 =	rddreg [dreg:$0x5]  }
0x36: {  	p0 =	sgt.u32 s14, s0  }
0x37: {  	s0 =	sshrl.u32 @!p0 s13, $0x3  }
0x38: {  	s1 =	sshll.u32 @!p0 s11, $0x3;
	s0 =	smul.u32 @!p0 $0xC3800, s0  }
0x39: {  	s5 =	smov.u32 s11;
	s2 =	sshll.u32 @!p0 s13, $0x7;
	s1 =	sand.u32 @!p0 $0xFFFFFC00, s1  }
0x3a: {  	s3 =	sand.u32 @!p0 $0x7F, s11;
	s0 =	sadd.s32 @!p0 s0, s1;
	s1 =	sand.u32 @!p0 $0x380, s2  }
0x3b: {  	p1 =	sgt.s32 @!p0 s13, $0x10;
	s4 =	sshra.s32 @!p0 s13, $0x1F;
	s0 =	sor.u32 @!p0 s1, s0  }
0x3c: {  	s6 =	sshra.s32 @!p0 s11, $0x1F;
	p1 =	por !p1, p0;
	s1 =	smulhi.u32 @!p0 $0xA79C7B17, s0  }
0x3d: {  	s4 =	sand.u32 @!p0 s4, s13;
	s0 =	sor.u32 @!p0 s3, s0;
	s3 =	smov.u32 s13  }
0x3e: {  	s3 =	simm.s32 @p1 $0x10;
	p1 =	sgt.s32 @!p0 s11, $0x18680;
	s1 =	sshrl.u32 @!p0 s1, $0x10  }
0x3f: {  	p1 =	por !p1, p0;
	s3 =	ssub.s32 @!p0 s3, s4;
	s2 =	smul.u32 @!p0 $0xE38F, s1  }
0x40: {  	s4 =	sand.u32 @!p0 s6, s11;
	s6 =	smulhi.u32 @!p0 $0xA79C7B17, s0;
	s5 =	simm.s32 @p1 $0x18680  }
0x41: {  	s4 =	ssub.s32 @!p0 s5, s4;
	s5 =	sadd.s32 @!p0 $0xFFFFFFF0, s3;
	s2 =	sshrl.u32 @!p0 s2, $0x17  }
0x42: {  	p1 =	sgt.s32 @!p0 s5, $0x7F;
	s5 =	sshrl.u32 @!p0 s6, $0x10;
	s2 =	smul.u32 @!p0 $0x90, s2  }
0x43: {  	s3 =	ssub.s32 @!p0 $0x90, s3;
	s5 =	smul.u32 @!p0 $0x18700, s5  }
0x44: {  	p1 =	por !p1, p0;
	s1 =	ssub.s32 @!p0 s1, s2;
	s2 =	sadd.s32 @!p0 $0xFFFE7980, s4  }
0x45: {  	s3 =	simm.s32 @!p1 $0x0;
	s4 =	ssub.s32 @!p0 $0x18700, s4;
	p2 =	sgt.s32 @!p0 s2, $0x7F  }
0x46: {  	s0 =	ssub.s32 @!p0 s0, s5;
	s1 =	sand.u32 @!p0 $0xFFFF, s1;
	p2 =	por !p2, p0  }
0x47: {  	s2 =	sxor.u32 @!p0 $0xFFFFFFFF, s14;
	s1 =	smul.u32 @!p0 $0x30E0, s1;
	s4 =	simm.s32 @!p2 $0x0  }
0x48: {  	s5 =	rddreg [dreg:$0x2];
	s2 =	sshll.u32 @!p0 s2, $0xE;
	s3 =	smul.u32 @!p0 s3, s4  }
0x49: {  	s2 =	sand.u32 @!p0 $0x4000, s2;
	s4 =	sshrl.u32 @!p0 s0, $0x3;
	s0 =	sand.u32 @!p0 $0x7, s0  }
0x4a: {  	s4 =	sadd.s32 @!p0 s5, s4;
	s0 =	sshll.u32 @!p0 s0, $0x12;
	s3 =	sand.u32 @!p0 $0x3FFFFFFF, s3  }
0x4b: {  	s1 =	sadd.s32 @!p0 s1, s4;
	s0 =	sor.u32 @!p0 $0x400, s0;
	s4 =	simm.s32 @!p0 $0xC3800  }
0x4c: {  	[tilespmem:s2], [sflag:$0x1] =	stream.strided.gather @!p0 [hbm4b:s1+s0], s3, s4, s0, $0x38;
	[tilespmem:$0x10100] =	vst v63  }
0x4d: {  	p0 =	seq.s32 s14, $0x0  }
0x4e: {  	p1 =	sge.u32 @!p0 s14, s7  }
0x4f: {  	p0 =	por p0, p1  }
.Ltmp2:
0x50: {  	_ = 	snop;
	(pc) =	sbr.rel @p0 .LBB1_13-.Ltmp2, $1  }
0x51: {  	_ =	sdelay $0x3  }
0x52: {  	s0 =	ssub.s32 $0x0, s12;
	s1 =	sshra.s32 s12, $0x1F;
	p0 =	sgt.s32 s12, $0x10  }
0x53: {  	s2 =	smov.u32 s12;
	s25 =	ssub.s32 $0x0, s8;
	s26 =	sshra.s32 s8, $0x1F  }
0x54: {  	s3 =	smov.u32 s8;
	s2 =	simm.s32 @!p0 $0x10;
	p0 =	sgt.s32 s8, $0x18680  }
0x55: {  	s4 =	sand.u32 s0, s1;
	s1 =	sand.u32 s25, s26;
	s3 =	simm.s32 @!p0 $0x18680  }
0x56: {  	s2 =	sadd.s32 s4, s2;
	[dreg:$0xc] =	wrdreg s1;
	s1 =	sadd.s32 s1, s3  }
0x57: {  	s27 =	sadd.s32 $0xFFFFFFF0, s2;
	s2 =	ssub.s32 $0x90, s2;
	s28 =	sadd.s32 $0xFFFE7980, s1  }
0x58: {  	p0 =	sgt.s32 s27, $0x7F;
	s0 =	ssub.s32 $0x18700, s1;
	p1 =	sgt.s32 s28, $0x7F  }
0x59: {  	s2 =	simm.s32 @p0 $0x0;
	s0 =	simm.s32 @p1 $0x0  }
0x5a: {  	s29 =	smul.u32 s2, s0;
	s2 =	sadd.s32 $0x80, s12  }
0x5b: {  	p0 =	slt.s32 s2, $0x90  }
0x5c: {  	s2 =	simm.s32 @!p0 $0x90  }
0x5d: {  	[dreg:$0xa] =	wrdreg s10;
	s20 =	ssub.s32 s2, s12  }
0x5e: {  	[dreg:$0x9] =	wrdreg s9;
	p0 =	slt.s32 s20, $0x1  }
.Ltmp3:
0x5f: {  	[dreg:$0x8] =	wrdreg s8;
	s30 =	simm.s32 $0x1;
	(pc) =	sbr.rel @p0 .LBB1_12-.Ltmp3, $4  }
0x60: {  	[dreg:$0xb] =	wrdreg s4;
	s0 =	sand.u32 $0x1, s14;
	s1 =	sand.u32 $0x3FFFFFFF, s29  }
0x61: {  	s31 =	smul.u32 $0x4080, s0;
	_ =	swait.ge [sflag:s30], s1  }
0x62: {  	s1 =	ssub.s32 $0x0, s1;
	[sflag:s30] =	ssyncset.done $0x0  }
0x63: {  	s18 =	sor.u32 $0x8000, s31;
	[sflag:s30] =	ssyncadd.s32 s1  }
0x64: {  	s2 =	rddreg [dreg:$0x8]  }
0x65: {  	s1 =	sadd.s32 $0x80, s2  }
0x66: {  	p0 =	slt.s32 s1, $0x186A0  }
.Ltmp4:
0x67: {  	s1 =	simm.s32 @!p0 $0x186A0;
	(pc) =	sbr.rel .LBB1_4-.Ltmp4, $4  }
0x68: {  	s23 =	sshll.u32 s0, $0xE;
	s1 =	ssub.s32 s1, s2  }
0x69: {  	s25 =	simm.s32 $0x0;
	s26 =	simm.s32 $0x400;
	s1 =	sadd.s32 $0xF, s1  }
0x6a: {  	s21 =	sand.u32 $0xFFFFFFF0, s1;
	s22 =	sand.u32 $0xFFFFFF00, s1;
	s31 =	sshll.u32 s1, $0x3  }
0x6b: {  	p0 =	slt.s32 s1, $0x100;
	s24 =	sand.u32 $0xFFFFF800, s31;
	p1 =	sge.s32 s22, s21  }
.LBB1_11:
0x6c: {  	s25 =	sadd.s32 $0x1, s25  }
0x6d: {  	p2 =	sne.s32 s25, s20  }
.Ltmp5:
0x6e: {  	_ = 	snop;
	(pc) =	sbr.rel @!p2 .LBB1_12-.Ltmp5, $2  }
0x6f: {  	_ =	sdelay $0x2  }
0x70: {  	s26 =	sadd.s32 $0x80, s26  }
.LBB1_4:
.Ltmp6:
0x71: {  	(pc) =	sbr.rel @p0 .LBB1_8-.Ltmp6, $2  }
0x72: {  	_ =	sdelay $0x2  }
0x73: {  	s27 =	sshll.u32 s25, $0x7;
	s28 =	sand.u32 $0x7F, s25  }
0x74: {  	s2 =	sshll.u32 s25, $0x3  }
0x75: {  	s5 =	sand.u32 $0x380, s27;
	s4 =	sshrl.u32 s2, $0x7;
	s1 =	sadd.s32 $0x800, s2  }
0x76: {  	s6 =	sadd.s32 $0x1000, s2;
	s19 =	sadd.s32 s5, s23;
	s17 =	sadd.s32 $0x1800, s2  }
0x77: {  	s9 =	sadd.s32 $0x2800, s2;
	s15 =	sadd.s32 $0x3000, s2;
	s2 =	sadd.s32 $0x3800, s2  }
0x78: {  	s0 =	sand.u32 $0x78, s4;
	s1 =	sshrl.u32 s1, $0x7;
	s16 =	sshrl.u32 s6, $0x7  }
0x79: {  	s6 =	sshrl.u32 s17, $0x7;
	s10 =	sshrl.u32 s9, $0x7;
	s2 =	sshrl.u32 s2, $0x7  }
0x7a: {  	v0 =	vmov s19;
	s19 =	sand.u32 $0x3C00, s26;
	s3 =	smul.u32 $0x204, s0;
	s1 =	sand.u32 $0x78, s1  }
0x7b: {  	s5 =	sand.u32 $0x78, s16;
	s7 =	sand.u32 $0x78, s6;
	s1 =	smul.u32 $0x204, s1  }
0x7c: {  	s2 =	sand.u32 $0x78, s2;
	s5 =	smul.u32 $0x204, s5;
	s3 =	sshrl.u32 s3, $0x2  }
0x7d: {  	s16 =	sadd.s32 $0x10, s4;
	s3 =	sadd.s32 s3, s18;
	s1 =	sshrl.u32 s1, $0x2  }
0x7e: {  	s8 =	sshrl.u32 s5, $0x2;
	s5 =	sshrl.u32 s15, $0x7;
	s1 =	sadd.s32 s1, s18  }
0x7f: {  	s29 =	sadd.s32 s28, s3;
	s3 =	sadd.s32 s8, s18;
	s30 =	sadd.s32 s28, s1  }
0x80: {  	s1 =	smul.u32 $0x204, s7;
	s31 =	sadd.s32 s28, s3;
	s3 =	sand.u32 $0x78, s10  }
0x81: {  	s15 =	sadd.s32 $0x60, s4;
	s5 =	sand.u32 $0x78, s5;
	s3 =	smul.u32 $0x204, s3  }
0x82: {  	s8 =	sadd.s32 $0x30, s4;
	s15 =	sand.u32 $0x78, s15;
	s5 =	smul.u32 $0x204, s5  }
0x83: {  	s7 =	sadd.s32 $0x20, s4;
	s15 =	smul.u32 $0x204, s15;
	s3 =	sshrl.u32 s3, $0x2  }
0x84: {  	s7 =	sand.u32 $0x78, s7;
	s5 =	sshrl.u32 s5, $0x2;
	s3 =	sadd.s32 s3, s18  }
0x85: {  	s5 =	sadd.s32 s5, s18;
	s9 =	sadd.s32 s28, s3;
	s3 =	sand.u32 $0x78, s16  }
0x86: {  	s15 =	sshrl.u32 s15, $0x2;
	s17 =	smul.u32 $0x204, s3;
	s3 =	sadd.s32 s28, s5  }
0x87: {  	s5 =	smul.u32 $0x204, s7;
	s7 =	sand.u32 $0x78, s8;
	s8 =	sadd.s32 $0x50, s4  }
0x88: {  	s4 =	sadd.s32 $0x70, s4;
	s7 =	smul.u32 $0x204, s7;
	s8 =	sand.u32 $0x78, s8  }
0x89: {  	v1 =	vld.idx.msk [tilespmem:v0+s19+$0x0 ss:$0x1], $0xffff;
	s4 =	sand.u32 $0x78, s4;
	s6 =	sshrl.u32 s17, $0x2;
	s8 =	smul.u32 $0x204, s8  }
0x8a: {  	s4 =	smul.u32 $0x204, s4;
	s6 =	sadd.s32 s6, s18;
	s7 =	sshrl.u32 s7, $0x2  }
0x8b: {  	s15 =	sadd.s32 s15, s18;
	s16 =	sadd.s32 s7, s18;
	s7 =	sadd.s32 s28, s6  }
0x8c: {  	s8 =	sshrl.u32 s8, $0x2;
	s4 =	sshrl.u32 s4, $0x2;
	s6 =	sadd.s32 s28, s16  }
0x8d: {  	s8 =	sadd.s32 s8, s18;
	s10 =	sadd.s32 s4, s18;
	s16 =	sadd.s32 $0xFFFFFC00, s26  }
0x8e: {  	[tilespmem:s29+$0x0 ss:$0x81] =	vst.msk $0xffff, v1;
	v1 =	vld.idx.msk [tilespmem:v0+s19+$0x20 ss:$0x1], $0xffff;
	s4 =	sadd.s32 s28, s8;
	s8 =	sadd.s32 s28, s15;
	s15 =	sand.u32 $0x3C00, s16  }
0x8f: {  	s2 =	smul.u32 $0x204, s2;
	v2 =	vld.idx.msk [tilespmem:v0+s15+$0x70 ss:$0x1], $0xffff  }
0x90: {  	v3 =	vld.idx.msk [tilespmem:v0+s15+$0x0 ss:$0x1], $0xffff  }
0x91: {  	s2 =	sshrl.u32 s2, $0x2;
	v4 =	vld.idx.msk [tilespmem:v0+s15+$0x10 ss:$0x1], $0xffff  }
0x92: {  	s2 =	sadd.s32 s2, s18;
	v5 =	vld.idx.msk [tilespmem:v0+s15+$0x20 ss:$0x1], $0xffff  }
0x93: {  	s0 =	sxor.u32 $0x40, s0;
	s2 =	sadd.s32 s28, s2;
	v6 =	vld.idx.msk [tilespmem:v0+s15+$0x30 ss:$0x1], $0xffff  }
0x94: {  	s0 =	smul.u32 $0x204, s0;
	v7 =	vld.idx.msk [tilespmem:v0+s15+$0x40 ss:$0x1], $0xffff;
	[tilespmem:s2+$0x0 ss:$0x81] =	vst.msk $0xffff, v2  }
0x95: {  	s1 =	sshrl.u32 s1, $0x2;
	v8 =	vld.idx.msk [tilespmem:v0+s15+$0x50 ss:$0x1], $0xffff;
	[tilespmem:s29+$0x0 ss:$0x81] =	vst.msk $0xffff, v3  }
0x96: {  	p2 =	sgt.s32 s22, $0x100;
	s0 =	sshrl.u32 s0, $0x2;
	s1 =	sadd.s32 s1, s18;
	v9 =	vld.idx.msk [tilespmem:v0+s15+$0x60 ss:$0x1], $0xffff;
	[tilespmem:s30+$0x0 ss:$0x81] =	vst.msk $0xffff, v4  }
.Ltmp7:
0x97: {  	s0 =	sadd.s32 s0, s18;
	s1 =	sadd.s32 s28, s1;
	v4 =	vld.idx.msk [tilespmem:v0+s19+$0x10 ss:$0x1], $0xffff;
	[tilespmem:s31+$0x0 ss:$0x81] =	vst.msk $0xffff, v5;
	(pc) =	sbr.rel @!p2 .LBB1_7-.Ltmp7, $4  }
0x98: {  	s0 =	sadd.s32 s28, s0;
	s5 =	sshrl.u32 s5, $0x2;
	[tilespmem:s1+$0x0 ss:$0x81] =	vst.msk $0xffff, v6;
	v2 =	vld.idx.msk [tilespmem:v0+s19+$0x30 ss:$0x1], $0xffff  }
0x99: {  	s5 =	sadd.s32 s5, s18;
	[tilespmem:s0+$0x0 ss:$0x81] =	vst.msk $0xffff, v7;
	v3 =	vld.idx.msk [tilespmem:v0+s19+$0x40 ss:$0x1], $0xffff  }
0x9a: {  	s5 =	sadd.s32 s28, s5;
	[tilespmem:s9+$0x0 ss:$0x81] =	vst.msk $0xffff, v8;
	v5 =	vld.idx.msk [tilespmem:v0+s19+$0x50 ss:$0x1], $0xffff  }
0x9b: {  	s17 =	sadd.s32 s28, s10;
	s16 =	sadd.s32 $0x800, s26;
	s15 =	simm.s32 $0x100;
	[tilespmem:s3+$0x0 ss:$0x81] =	vst.msk $0xffff, v9;
	v6 =	vld.idx.msk [tilespmem:v0+s19+$0x60 ss:$0x1], $0xffff  }
.LBB1_6:
0x9c: {  	s10 =	sadd.s32 $0xFFFFFC00, s16;
	s15 =	sadd.s32 $0x100, s15;
	[tilespmem:s7+$0x0 ss:$0x81] =	vst.msk $0xffff, v4;
	v4 =	vld.idx.msk [tilespmem:v0+s19+$0x70 ss:$0x1], $0xffff;
	s19 =	sand.u32 $0x3C00, s16  }
0x9d: {  	s10 =	sand.u32 $0x3C00, s10;
	v7 =	vld.idx.msk [tilespmem:v0+s19+$0x0 ss:$0x1], $0xffff;
	p2 =	slt.s32 s15, s22;
	[tilespmem:s5+$0x0 ss:$0x81] =	vst.msk $0xffff, v1  }
0x9e: {  	v1 =	vld.idx.msk [tilespmem:v0+s10+$0x70 ss:$0x1], $0xffff;
	[tilespmem:s6+$0x0 ss:$0x81] =	vst.msk $0xffff, v2  }
0x9f: {  	v2 =	vld.idx.msk [tilespmem:v0+s10+$0x0 ss:$0x1], $0xffff;
	[tilespmem:s0+$0x0 ss:$0x81] =	vst.msk $0xffff, v3  }
0xa0: {  	v3 =	vld.idx.msk [tilespmem:v0+s10+$0x10 ss:$0x1], $0xffff;
	[tilespmem:s4+$0x0 ss:$0x81] =	vst.msk $0xffff, v5  }
0xa1: {  	v5 =	vld.idx.msk [tilespmem:v0+s10+$0x20 ss:$0x1], $0xffff;
	[tilespmem:s8+$0x0 ss:$0x81] =	vst.msk $0xffff, v6  }
0xa2: {  	v6 =	vld.idx.msk [tilespmem:v0+s10+$0x30 ss:$0x1], $0xffff;
	[tilespmem:s17+$0x0 ss:$0x81] =	vst.msk $0xffff, v4  }
0xa3: {  	v8 =	vld.idx.msk [tilespmem:v0+s10+$0x40 ss:$0x1], $0xffff;
	[tilespmem:s29+$0x0 ss:$0x81] =	vst.msk $0xffff, v7  }
0xa4: {  	v7 =	vld.idx.msk [tilespmem:v0+s10+$0x50 ss:$0x1], $0xffff;
	[tilespmem:s2+$0x0 ss:$0x81] =	vst.msk $0xffff, v1  }
0xa5: {  	[tilespmem:s29+$0x0 ss:$0x81] =	vst.msk $0xffff, v2;
	v9 =	vld.idx.msk [tilespmem:v0+s10+$0x60 ss:$0x1], $0xffff  }
0xa6: {  	[tilespmem:s30+$0x0 ss:$0x81] =	vst.msk $0xffff, v3;
	v4 =	vld.idx.msk [tilespmem:v0+s19+$0x10 ss:$0x1], $0xffff  }
.Ltmp8:
0xa7: {  	[tilespmem:s31+$0x0 ss:$0x81] =	vst.msk $0xffff, v5;
	v1 =	vld.idx.msk [tilespmem:v0+s19+$0x20 ss:$0x1], $0xffff;
	(pc) =	sbr.rel @p2 .LBB1_6-.Ltmp8, $4  }
0xa8: {  	[tilespmem:s1+$0x0 ss:$0x81] =	vst.msk $0xffff, v6;
	v2 =	vld.idx.msk [tilespmem:v0+s19+$0x30 ss:$0x1], $0xffff  }
0xa9: {  	[tilespmem:s0+$0x0 ss:$0x81] =	vst.msk $0xffff, v8;
	v3 =	vld.idx.msk [tilespmem:v0+s19+$0x40 ss:$0x1], $0xffff  }
0xaa: {  	[tilespmem:s9+$0x0 ss:$0x81] =	vst.msk $0xffff, v7;
	v5 =	vld.idx.msk [tilespmem:v0+s19+$0x50 ss:$0x1], $0xffff  }
0xab: {  	s16 =	sadd.s32 $0x800, s16;
	[tilespmem:s3+$0x0 ss:$0x81] =	vst.msk $0xffff, v9;
	v6 =	vld.idx.msk [tilespmem:v0+s19+$0x60 ss:$0x1], $0xffff  }
.LBB1_7:
0xac: {  	_ =	sdelay $0x2  }
0xad: {  	[tilespmem:s7+$0x0 ss:$0x81] =	vst.msk $0xffff, v4  }
0xae: {  	v0 =	vld.idx.msk [tilespmem:v0+s19+$0x70 ss:$0x1], $0xffff;
	[tilespmem:s5+$0x0 ss:$0x81] =	vst.msk $0xffff, v1  }
0xaf: {  	[tilespmem:s6+$0x0 ss:$0x81] =	vst.msk $0xffff, v2  }
0xb0: {  	[tilespmem:s0+$0x0 ss:$0x81] =	vst.msk $0xffff, v3  }
0xb1: {  	[tilespmem:s4+$0x0 ss:$0x81] =	vst.msk $0xffff, v5  }
0xb2: {  	[tilespmem:s8+$0x0 ss:$0x81] =	vst.msk $0xffff, v6  }
0xb3: {  	[tilespmem:s17+$0x0 ss:$0x81] =	vst.msk $0xffff, v0  }
.LBB1_8:
.Ltmp9:
0xb4: {  	(pc) =	sbr.rel @p1 .LBB1_11-.Ltmp9, $1  }
0xb5: {  	_ =	sdelay $0x3  }
0xb6: {  	s1 =	sand.u32 $0x380, s27;
	s0 =	sshrl.u32 s25, $0x4;
	s2 =	sadd.s32 s28, s18  }
0xb7: {  	s3 =	smov.u32 s24;
	s4 =	smov.u32 s22;
	s1 =	sadd.s32 s1, s23  }
.LBB1_10:
0xb8: {  	s5 =	sand.u32 $0x3C00, s3  }
0xb9: {  	s5 =	sadd.s32 s27, s5  }
0xba: {  	s5 =	sand.u32 $0x3C00, s5  }
0xbb: {  	s6 =	sand.u32 $0x70, s4;
	s30 =	sadd.s32 s4, s0;
	s5 =	sadd.s32 s5, s1  }
0xbc: {  	s4 =	sadd.s32 $0x10, s4;
	s31 =	sand.u32 $0x78, s30;
	s5 =	sadd.s32 s6, s5  }
0xbd: {  	p2 =	slt.s32 s4, s21;
	v0 =	vld [tilespmem:s5+$0x0];
	s5 =	smul.u32 $0x204, s31  }
.Ltmp10:
0xbe: {  	_ = 	snop;
	(pc) =	sbr.rel @p2 .LBB1_10-.Ltmp10, $4  }
0xbf: {  	_ = 	snop  }
0xc0: {  	s5 =	sshrl.u32 s5, $0x2  }
0xc1: {  	s5 =	sadd.s32 s5, s2  }
0xc2: {  	s3 =	sadd.s32 $0x80, s3;
	[tilespmem:s5+$0x0 ss:$0x81] =	vst.msk $0xffff, v0  }
.Ltmp11:
0xc3: {  	_ = 	snop;
	(pc) =	sbr.rel .LBB1_11-.Ltmp11, $1  }
0xc4: {  	_ =	sdelay $0x3  }
.LBB1_14:
0xc5: {  	_ =	sfence.sel $0x180000  }
0xc6: {  	s0 =	simm.s32 $0x1;
	[bflag:$0x0] =	sbarrier.arrive $0xFFFF  }
0xc7: {  	s30 =	simm.s32 $0x2;
	[sflag:s0] =	ssyncpa.u1 $0x1  }
0xc8: {  	[sflag:s30] =	ssyncpa.u1 $0x1  }
0xc9: {  	_ =	strace $0x90000047  }
0xca: {  	s31 =	stileid.u32;
	[bflag:$0x2] =	sbarrier.arrive $0xFFFF  }
0xcb: {  	p0 =	sne.s32 s31, $0x0;
	s0 =	rddreg [dreg:$0x1]  }
0xcc: {  	s0 =	sadd.s32 @!p0 $0x100000, s0  }
0xcd: {  	[sflag:s0] =	ssyncadd.tile.s32 @!p0 $0x1;
	_ =	shalt  }
.Lfunc_end1:
_tile_overlayer_lowered:
.L_overlay_start_2:
0xce: {  	(tag) =	ssettag $0x2  }
0xcf: {  	s0 =	rddreg [dreg:$0x0];
	s2 =	stileid.u32  }
0xd0: {  	s1 =	rddreg [dreg:$0x1];
	p0 =	sne.s32 s2, $0x0  }
0xd1: {  	s3 =	rddreg [dreg:$0x2];
	[bflag:$0x3] =	sbarrier.arrive $0xFFFF;
	s2 =	simm.s32 @!p0 $0x1C01  }
0xd2: {  	[timem:s3], [sflag:s2] =	dma.local @!p0 [hbm:s0], s1  }
0xd3: {  	s0 =	simm.s32 @!p0 $0x1  }
0xd4: {  	_ =	swait.ge @!p0 [sflag:s0], s1  }
0xd5: {  	s1 =	ssub.s32 @!p0 $0x0, s1;
	[sflag:s0] =	ssyncset.done @!p0 $0x0  }
0xd6: {  	[sflag:s0] =	ssyncadd.s32 @!p0 s1  }
0xd7: {  	[bflag:$0x3] =	sbarrier.arrive $0xFFFF  }
0xd8: {  	_ =	shalt  }

</sc_bundles>
